<compile_context>
chip_gen: v7x
topology: tpu7x:2x2x1
jax: 0.10.2.dev20260603
libtpu: 0.0.44.dev20260713+nightly
codegen_flags: <defaults>
</compile_context>

<pallas_src>
import functools

import jax
import jax.numpy as jnp
from jax import lax
from jax.experimental import pallas as pl
from jax.experimental.pallas import tpu as pltpu
from jax.experimental.pallas import tpu_sc as plsc

NC = 2
NS = 16
NW = NC * NS
K = 128


def _sc_mesh():
    return plsc.VectorSubcoreMesh(core_axis_name="c", subcore_axis_name="s",
                                  num_cores=NC, num_subcores=NS)


def _make_gather(n_acc, d, e_pad, nch):
    @functools.partial(
        pl.kernel,
        out_type=jax.ShapeDtypeStruct((2, e_pad, d), jnp.float32),
        mesh=_sc_mesh(),
        scratch_types=[
            pltpu.VMEM((nch, K), jnp.int32),
            pltpu.VMEM((K, d), jnp.float32),
            pltpu.VMEM((K, d), jnp.float32),
            pltpu.SemaphoreType.DMA,
            pltpu.SemaphoreType.DMA,
        ],
    )
    def gather_k(hpad_hbm, idx_hbm, out_hbm, idx_v, rows0, rows1, gsem, osem):
        wid = lax.axis_index("s") * NC + lax.axis_index("c")
        ew = nch * K
        for b in range(2):
            pltpu.sync_copy(idx_hbm.at[b, wid], idx_v)

            def body(jj, carry):
                j0 = 2 * jj
                g0 = pltpu.async_copy(hpad_hbm.at[idx_v.at[j0]], rows0, gsem)
                g1 = pltpu.async_copy(hpad_hbm.at[idx_v.at[j0 + 1]], rows1, gsem)
                g0.wait()
                o0 = pltpu.async_copy(
                    rows0, out_hbm.at[b, pl.ds(wid * ew + j0 * K, K)], osem)
                g1.wait()
                o1 = pltpu.async_copy(
                    rows1, out_hbm.at[b, pl.ds(wid * ew + (j0 + 1) * K, K)], osem)
                o0.wait()
                o1.wait()
                return carry

            lax.fori_loop(0, nch // 2, body, 0)

    return gather_k


def _make_scatter(n, n_acc, d, e_pad, nch):
    @functools.partial(
        pl.kernel,
        out_type=jax.ShapeDtypeStruct((2, n_acc, d), jnp.float32),
        mesh=_sc_mesh(),
        scratch_types=[
            pltpu.VMEM((nch, K), jnp.int32),
            pltpu.VMEM((K, d), jnp.float32),
            pltpu.VMEM((K, d), jnp.float32),
            pltpu.VMEM_SHARED((n_acc, d), jnp.float32),
            pltpu.SemaphoreType.DMA,
        ],
    )
    def scatter_k(r_hbm, idx_hbm, zeros_hbm, out_hbm, idx_v, rows0, rows1, acc, gsem):
        c = lax.axis_index("c")
        s = lax.axis_index("s")
        wid = s * NC + c
        ew = nch * K
        rz = n_acc // NS
        pltpu.sync_copy(zeros_hbm.at[pl.ds(s * rz, rz)], acc.at[pl.ds(s * rz, rz)])
        plsc.subcore_barrier()
        for b in range(2):
            pltpu.sync_copy(idx_hbm.at[b, wid], idx_v)

            def body(jj, carry):
                j0 = 2 * jj
                g0 = pltpu.async_copy(r_hbm.at[b, pl.ds(wid * ew + j0 * K, K)],
                                      rows0, gsem)
                g1 = pltpu.async_copy(r_hbm.at[b, pl.ds(wid * ew + (j0 + 1) * K, K)],
                                      rows1, gsem)
                g0.wait()
                pltpu.sync_copy(rows0, acc.at[idx_v.at[j0]], add=True)
                g1.wait()
                pltpu.sync_copy(rows1, acc.at[idx_v.at[j0 + 1]], add=True)
                return carry

            lax.fori_loop(0, nch // 2, body, 0)
        plsc.subcore_barrier()
        ro = n_acc // NS
        pltpu.sync_copy(acc.at[pl.ds(s * ro, ro)], out_hbm.at[c, pl.ds(s * ro, ro)])

    return scatter_k


def _mlp_block(gath_ref, enc_ref, hg_ref, eg_ref,
               w0a_ref, w0b_ref, w0g_ref, w0e_ref, tb0_ref,
               w1_ref, b1_ref, w2_ref, b2_ref, r_ref):
    enc = enc_ref[...]
    f32 = jnp.float32
    for b in range(2):
        c0 = (jnp.dot(hg_ref[...], w0g_ref[b], preferred_element_type=f32)
              + jnp.dot(eg_ref[...], w0e_ref[b], preferred_element_type=f32)
              + tb0_ref[b])
        x = jnp.tanh(jnp.dot(gath_ref[b], w0a_ref[b], preferred_element_type=f32)
                     + jnp.dot(enc, w0b_ref[b], preferred_element_type=f32)
                     + c0)
        x = jnp.tanh(jnp.dot(x, w1_ref[b], preferred_element_type=f32) + b1_ref[b])
        r_ref[b] = jnp.tanh(jnp.dot(x, w2_ref[b], preferred_element_type=f32)
                            + b2_ref[b])


def _final_block(p_ref, o_ref):
    o_ref[...] = jnp.tanh(p_ref[0] + p_ref[1])


def kernel(h_local, h_global, enc_local_line, enc_global, addr_from, addr_to, t,
           W0_from, b0_from, W1_from, b1_from, W2_from, b2_from,
           W0_to, b0_to, W1_to, b1_to, W2_to, b2_to):
    n, d = h_local.shape
    e = addr_from.shape[0]
    h = W1_from.shape[0]

    ew = -(-e // (NW * 2 * K)) * 2 * K
    e_pad = ew * NW
    nch = ew // K
    n_acc = -(-(n + 16) // (NS * 8)) * (NS * 8)

    pad_idx = n + (jnp.arange(e_pad - e, dtype=jnp.int32) % 16)
    idx = jnp.stack([addr_from.astype(jnp.int32), addr_to.astype(jnp.int32)])
    idx = jnp.concatenate([idx, jnp.stack([pad_idx, pad_idx])], axis=1)
    idx = idx.reshape(2, NW, nch, K)
    hpad = jnp.concatenate([h_local, jnp.zeros((n_acc - n, d), jnp.float32)])
    zeros_acc = jnp.zeros((n_acc, d), jnp.float32)

    w0a = jnp.stack([W0_from[0 * d:1 * d], W0_to[0 * d:1 * d]])
    w0g = jnp.stack([W0_from[1 * d:2 * d], W0_to[1 * d:2 * d]])
    w0b = jnp.stack([W0_from[2 * d:3 * d], W0_to[2 * d:3 * d]])
    w0e = jnp.stack([W0_from[3 * d:4 * d], W0_to[3 * d:4 * d]])
    tb0 = jnp.stack([t * W0_from[4 * d] + b0_from,
                     t * W0_to[4 * d] + b0_to]).reshape(2, 1, h)
    w1 = jnp.stack([W1_from, W1_to])
    b1 = jnp.stack([b1_from, b1_to]).reshape(2, 1, h)
    w2 = jnp.stack([W2_from, W2_to])
    b2 = jnp.stack([b2_from, b2_to]).reshape(2, 1, d)

    gath = _make_gather(n_acc, d, e_pad, nch)(hpad, idx)

    be = 1280
    nb = e // be
    wspec = lambda shp: pl.BlockSpec(shp, lambda i: (0,) * len(shp))
    r = pl.pallas_call(
        _mlp_block,
        grid=(nb,),
        in_specs=[
            pl.BlockSpec((2, be, d), lambda i: (0, i, 0)),
            pl.BlockSpec((be, d), lambda i: (i, 0)),
            wspec((1, d)), wspec((1, d)),
            wspec((2, d, h)), wspec((2, d, h)),
            wspec((2, d, h)), wspec((2, d, h)),
            wspec((2, 1, h)),
            wspec((2, h, h)), wspec((2, 1, h)),
            wspec((2, h, d)), wspec((2, 1, d)),
        ],
        out_specs=pl.BlockSpec((2, be, d), lambda i: (0, i, 0)),
        out_shape=jax.ShapeDtypeStruct((2, e_pad, d), jnp.float32),
    )(gath, enc_local_line, h_global, enc_global,
      w0a, w0b, w0g, w0e, tb0, w1, b1, w2, b2)

    partial = _make_scatter(n, n_acc, d, e_pad, nch)(r, idx, zeros_acc)

    bn = 1000
    out = pl.pallas_call(
        _final_block,
        grid=(n // bn,),
        in_specs=[pl.BlockSpec((2, bn, d), lambda i: (0, i, 0))],
        out_specs=pl.BlockSpec((bn, d), lambda i: (i, 0)),
        out_shape=jax.ShapeDtypeStruct((n, d), jnp.float32),
    )(partial)
    return out

# --- scband reference (transcript-rebuilt; emitter-appended) ---
"""Pipeline reference for scband-local-dynamics-64888365908193 (READ-ONLY COPY).

The authoritative reference and input builder live on the scoring server;
editing this copy changes nothing except your own understanding.
"""

import jax, jax.numpy as jnp
import numpy as np

N = 10000
E = 320000
D = 128
H = 256
IN_DIM = 4 * D + 1  # gathered h_local + h_global + enc_local + enc_global + t


def _mlp(x, W0, b0, W1, b1, W2, b2):
    # MLP with tanh activation on hidden layers (get_activation('tanh')),
    # final Dense(out_size, use_bias=True) with no activation inside MLP.
    x = jnp.tanh(x @ W0 + b0)
    x = jnp.tanh(x @ W1 + b1)
    return x @ W2 + b2


def setup_inputs(seed: int = 0) -> dict:
    key = jax.random.key(seed)
    ks = jax.random.split(key, 24)
    h_local = jax.random.normal(ks[0], (N, D), jnp.float32)
    h_global = jax.random.normal(ks[1], (1, D), jnp.float32)
    enc_local_line = jax.random.normal(ks[2], (E, D), jnp.float32)
    enc_global = jax.random.normal(ks[3], (1, D), jnp.float32)
    addr_from = jax.random.randint(ks[4], (E,), 0, N, jnp.int32)
    addr_to = jax.random.randint(ks[5], (E,), 0, N, jnp.int32)
    t = jnp.float32(0.5)

    def dense(k, fan_in, fan_out):
        return jax.random.normal(k, (fan_in, fan_out), jnp.float32) / np.sqrt(fan_in)

    params = {}
    for i, tag in enumerate(['from', 'to']):
        base = 6 + i * 6
        params['W0_' + tag] = dense(ks[base + 0], IN_DIM, H)
        params['b0_' + tag] = jnp.zeros((H,), jnp.float32)
        params['W1_' + tag] = dense(ks[base + 2], H, H)
        params['b1_' + tag] = jnp.zeros((H,), jnp.float32)
        params['W2_' + tag] = dense(ks[base + 4], H, D)
        params['b2_' + tag] = jnp.zeros((D,), jnp.float32)

    out = {
        'h_local': h_local,
        'h_global': h_global,
        'enc_local_line': enc_local_line,
        'enc_global': enc_global,
        'addr_from': addr_from,
        'addr_to': addr_to,
        't': t,
    }
    out.update(params)
    return out


def reference(h_local, h_global, enc_local_line, enc_global, addr_from, addr_to, t,
              W0_from, b0_from, W1_from, b1_from, W2_from, b2_from,
              W0_to, b0_to, W1_to, b1_to, W2_to, b2_to):
    delta_sum = 0.0 * h_local
    ones = jnp.ones_like(enc_local_line)[:, :1]
    for idx, Ws in ((addr_from, (W0_from, b0_from, W1_from, b1_from, W2_from, b2_from)),
                    (addr_to, (W0_to, b0_to, W1_to, b1_to, W2_to, b2_to))):
        clean_idx = idx.astype(jnp.int32)
        gathered = h_local.at[clean_idx].get(mode='drop', fill_value=0.0)
        nn_input = jnp.concatenate([
            gathered,
            h_global * ones,
            enc_local_line,
            enc_global * ones,
            t * ones,
        ], axis=1)
        r = jnp.tanh(_mlp(nn_input, *Ws))
        delta_sum = delta_sum.at[clean_idx].add(r, mode='drop')
    return jnp.tanh(delta_sum)

if __name__ == "__main__":
    import jax
    _d = setup_inputs()
    print(jax.jit(kernel)(*tuple(_d.values())))

</pallas_src>

<mosaic_0001>
#map = affine_map<(d0, d1) -> (0, 0, 0)>
#map1 = affine_map<(d0, d1) -> (0, 0, 0, 0)>
#map2 = affine_map<(d0, d1) -> (0, 0)>
module attributes {stable_mosaic.version = 14 : i64} {
  func.func @scatter_k(%arg0: i32, %arg1: i32, %arg2: memref<2x327680x128xf32, #tpu.memory_space<hbm>>, %arg3: memref<2x32x80x128xi32, #tpu.memory_space<hbm>>, %arg4: memref<10112x128xf32, #tpu.memory_space<hbm>>, %arg5: memref<2x10112x128xf32, #tpu.memory_space<hbm>>, %arg6: memref<80x128xi32, #tpu.memory_space<vmem>>, %arg7: memref<128x128xf32, #tpu.memory_space<vmem>>, %arg8: memref<128x128xf32, #tpu.memory_space<vmem>>, %arg9: memref<10112x128xf32, #tpu.memory_space<vmem_shared>>, %arg10: memref<!tpu.dma_semaphore, #tpu.memory_space<semaphore_mem>>) attributes {dimension_semantics = [#tpu.dimension_semantics<core_parallel>, #tpu.dimension_semantics<subcore_parallel>], iteration_bounds = array<i64: 2, 16>, scalar_prefetch = 0 : i64, scratch_operands = 5 : i64, tpu.core_type = #tpu.core_type<sc_vector_subcore>, window_params = [{transform_indices = #map}, {transform_indices = #map1}, {transform_indices = #map2}, {transform_indices = #map}]} {
    %mul3A = arith.constant 2 : i32
    %mul3A_0 = arith.muli %arg1, %mul3A : i32
    %add3A = arith.addi %mul3A_0, %arg0 : i32
    %mul3A_1 = arith.constant 632 : i32
    %mul3A_2 = arith.muli %arg1, %mul3A_1 : i32
    %mul3A_3 = arith.constant 632 : i32
    %mul3A_4 = arith.muli %arg1, %mul3A_3 : i32
    "tpu.region"() ({
      %run_scoped3A_22 = tpu.sem_alloc : memref<!tpu.dma_semaphore, #tpu.memory_space<semaphore_mem>>
      %dma_start3A = arith.constant 0 : i32
      %dma_start3A_23 = tpu.memref_slice %arg9[%mul3A_4, %dma_start3A] : memref<10112x128xf32, #tpu.memory_space<vmem_shared>> -> memref<632x128xf32, #tpu.memory_space<vmem_shared>>
      %dma_start3A_24 = arith.constant 0 : i32
      %dma_start3A_25 = tpu.memref_slice %arg4[%mul3A_2, %dma_start3A_24] : memref<10112x128xf32, #tpu.memory_space<hbm>> -> memref<632x128xf32, #tpu.memory_space<hbm>>
      tpu.enqueue_dma source(%dma_start3A_25 : memref<632x128xf32, #tpu.memory_space<hbm>>) target(%dma_start3A_23 : memref<632x128xf32, #tpu.memory_space<vmem_shared>>) target_semaphore(%run_scoped3A_22 : memref<!tpu.dma_semaphore, #tpu.memory_space<semaphore_mem>>)
      %dma_wait3A = arith.constant 0 : i32
      %dma_wait3A_26 = tpu.memref_slice %arg9[%mul3A_4, %dma_wait3A] : memref<10112x128xf32, #tpu.memory_space<vmem_shared>> -> memref<632x128xf32, #tpu.memory_space<vmem_shared>>
      %dma_wait3A_27 = arith.constant 0 : i32
      %dma_wait3A_28 = tpu.memref_slice %arg4[%mul3A_2, %dma_wait3A_27] : memref<10112x128xf32, #tpu.memory_space<hbm>> -> memref<632x128xf32, #tpu.memory_space<hbm>>
      tpu.wait_dma2 semaphore(%run_scoped3A_22 : memref<!tpu.dma_semaphore, #tpu.memory_space<semaphore_mem>>) src(%dma_wait3A_28 : memref<632x128xf32, #tpu.memory_space<hbm>>) dst(%dma_wait3A_26 : memref<632x128xf32, #tpu.memory_space<vmem_shared>>)
      tpu.yield
    }) : () -> ()
    %barrier3A = arith.constant 0 : index
    tpu.barrier barrier_id(%barrier3A)
    %run_scoped3A = arith.constant 0 : i32
    "tpu.region"() ({
      %run_scoped3A_22 = tpu.sem_alloc : memref<!tpu.dma_semaphore, #tpu.memory_space<semaphore_mem>>
      %dma_start3A = arith.constant 0 : i32
      %dma_start3A_23 = arith.constant 0 : i32
      %dma_start3A_24 = tpu.memref_slice %arg3[%run_scoped3A, %add3A, %dma_start3A, %dma_start3A_23] : memref<2x32x80x128xi32, #tpu.memory_space<hbm>> -> memref<1x1x80x128xi32, #tpu.memory_space<hbm>>
      %dma_start3A_25 = tpu.memref_squeeze %dma_start3A_24 : memref<1x1x80x128xi32, #tpu.memory_space<hbm>> -> memref<80x128xi32, #tpu.memory_space<hbm>>
      %dma_start3A_26 = arith.constant 0 : i32
      %dma_start3A_27 = arith.constant 0 : i32
      %dma_start3A_28 = tpu.memref_slice %arg3[%run_scoped3A, %add3A, %dma_start3A_26, %dma_start3A_27] : memref<2x32x80x128xi32, #tpu.memory_space<hbm>> -> memref<1x1x80x128xi32, #tpu.memory_space<hbm>>
      %dma_start3A_29 = tpu.memref_squeeze %dma_start3A_28 : memref<1x1x80x128xi32, #tpu.memory_space<hbm>> -> memref<80x128xi32, #tpu.memory_space<hbm>>
      tpu.enqueue_dma source(%dma_start3A_29 : memref<80x128xi32, #tpu.memory_space<hbm>>) target(%arg6 : memref<80x128xi32, #tpu.memory_space<vmem>>) target_semaphore(%run_scoped3A_22 : memref<!tpu.dma_semaphore, #tpu.memory_space<semaphore_mem>>)
      %dma_wait3A = arith.constant 0 : i32
      %dma_wait3A_30 = arith.constant 0 : i32
      %dma_wait3A_31 = tpu.memref_slice %arg3[%run_scoped3A, %add3A, %dma_wait3A, %dma_wait3A_30] : memref<2x32x80x128xi32, #tpu.memory_space<hbm>> -> memref<1x1x80x128xi32, #tpu.memory_space<hbm>>
      %dma_wait3A_32 = tpu.memref_squeeze %dma_wait3A_31 : memref<1x1x80x128xi32, #tpu.memory_space<hbm>> -> memref<80x128xi32, #tpu.memory_space<hbm>>
      %dma_wait3A_33 = arith.constant 0 : i32
      %dma_wait3A_34 = arith.constant 0 : i32
      %dma_wait3A_35 = tpu.memref_slice %arg3[%run_scoped3A, %add3A, %dma_wait3A_33, %dma_wait3A_34] : memref<2x32x80x128xi32, #tpu.memory_space<hbm>> -> memref<1x1x80x128xi32, #tpu.memory_space<hbm>>
      %dma_wait3A_36 = tpu.memref_squeeze %dma_wait3A_35 : memref<1x1x80x128xi32, #tpu.memory_space<hbm>> -> memref<80x128xi32, #tpu.memory_space<hbm>>
      tpu.wait_dma2 semaphore(%run_scoped3A_22 : memref<!tpu.dma_semaphore, #tpu.memory_space<semaphore_mem>>) src(%dma_wait3A_36 : memref<80x128xi32, #tpu.memory_space<hbm>>) dst(%arg6 : memref<80x128xi32, #tpu.memory_space<vmem>>)
      tpu.yield
    }) : () -> ()
    %scan3A = arith.constant 0 : i32
    %scan3A_5 = arith.constant 0 : i32
    %scan3A_6 = arith.constant 40 : i32
    %scan3A_7 = arith.addi %scan3A_5, %scan3A_6 : i32
    %scan3A_8 = arith.constant 1 : i32
    scf.for %scan3A_22 = %scan3A_5 to %scan3A_7 step %scan3A_8  : i32 {
      %mul3A_23 = arith.constant 2 : i32
      %mul3A_24 = arith.muli %mul3A_23, %scan3A_22 : i32
      %mul3A_25 = arith.constant 10240 : i32
      %mul3A_26 = arith.muli %add3A, %mul3A_25 : i32
      %mul3A_27 = arith.constant 128 : i32
      %mul3A_28 = arith.muli %mul3A_24, %mul3A_27 : i32
      %add3A_29 = arith.addi %mul3A_26, %mul3A_28 : i32
      %dma_start3A = arith.constant 0 : i32
      %dma_start3A_30 = arith.constant 0 : i32
      %dma_start3A_31 = tpu.memref_slice %arg2[%dma_start3A, %add3A_29, %dma_start3A_30] : memref<2x327680x128xf32, #tpu.memory_space<hbm>> -> memref<1x128x128xf32, #tpu.memory_space<hbm>>
      %dma_start3A_32 = tpu.memref_squeeze %dma_start3A_31 : memref<1x128x128xf32, #tpu.memory_space<hbm>> -> memref<128x128xf32, #tpu.memory_space<hbm>>
      %dma_start3A_33 = arith.constant 0 : i32
      %dma_start3A_34 = tpu.memref_slice %arg2[%dma_start3A, %add3A_29, %dma_start3A_33] : memref<2x327680x128xf32, #tpu.memory_space<hbm>> -> memref<1x128x128xf32, #tpu.memory_space<hbm>>
      %dma_start3A_35 = tpu.memref_squeeze %dma_start3A_34 : memref<1x128x128xf32, #tpu.memory_space<hbm>> -> memref<128x128xf32, #tpu.memory_space<hbm>>
      tpu.enqueue_dma source(%dma_start3A_35 : memref<128x128xf32, #tpu.memory_space<hbm>>) target(%arg7 : memref<128x128xf32, #tpu.memory_space<vmem>>) target_semaphore(%arg10 : memref<!tpu.dma_semaphore, #tpu.memory_space<semaphore_mem>>)
      %mul3A_36 = arith.constant 10240 : i32
      %mul3A_37 = arith.muli %add3A, %mul3A_36 : i32
      %add3A_38 = arith.constant 1 : i32
      %add3A_39 = arith.addi %mul3A_24, %add3A_38 : i32
      %mul3A_40 = arith.constant 128 : i32
      %mul3A_41 = arith.muli %add3A_39, %mul3A_40 : i32
      %add3A_42 = arith.addi %mul3A_37, %mul3A_41 : i32
      %dma_start3A_43 = arith.constant 0 : i32
      %dma_start3A_44 = arith.constant 0 : i32
      %dma_start3A_45 = tpu.memref_slice %arg2[%dma_start3A_43, %add3A_42, %dma_start3A_44] : memref<2x327680x128xf32, #tpu.memory_space<hbm>> -> memref<1x128x128xf32, #tpu.memory_space<hbm>>
      %dma_start3A_46 = tpu.memref_squeeze %dma_start3A_45 : memref<1x128x128xf32, #tpu.memory_space<hbm>> -> memref<128x128xf32, #tpu.memory_space<hbm>>
      %dma_start3A_47 = arith.constant 0 : i32
      %dma_start3A_48 = tpu.memref_slice %arg2[%dma_start3A_43, %add3A_42, %dma_start3A_47] : memref<2x327680x128xf32, #tpu.memory_space<hbm>> -> memref<1x128x128xf32, #tpu.memory_space<hbm>>
      %dma_start3A_49 = tpu.memref_squeeze %dma_start3A_48 : memref<1x128x128xf32, #tpu.memory_space<hbm>> -> memref<128x128xf32, #tpu.memory_space<hbm>>
      tpu.enqueue_dma source(%dma_start3A_49 : memref<128x128xf32, #tpu.memory_space<hbm>>) target(%arg8 : memref<128x128xf32, #tpu.memory_space<vmem>>) target_semaphore(%arg10 : memref<!tpu.dma_semaphore, #tpu.memory_space<semaphore_mem>>)
      %dma_wait3A = arith.constant 0 : i32
      %dma_wait3A_50 = arith.constant 0 : i32
      %dma_wait3A_51 = tpu.memref_slice %arg2[%dma_wait3A, %add3A_29, %dma_wait3A_50] : memref<2x327680x128xf32, #tpu.memory_space<hbm>> -> memref<1x128x128xf32, #tpu.memory_space<hbm>>
      %dma_wait3A_52 = tpu.memref_squeeze %dma_wait3A_51 : memref<1x128x128xf32, #tpu.memory_space<hbm>> -> memref<128x128xf32, #tpu.memory_space<hbm>>
      %dma_wait3A_53 = arith.constant 0 : i32
      %dma_wait3A_54 = tpu.memref_slice %arg2[%dma_wait3A, %add3A_29, %dma_wait3A_53] : memref<2x327680x128xf32, #tpu.memory_space<hbm>> -> memref<1x128x128xf32, #tpu.memory_space<hbm>>
      %dma_wait3A_55 = tpu.memref_squeeze %dma_wait3A_54 : memref<1x128x128xf32, #tpu.memory_space<hbm>> -> memref<128x128xf32, #tpu.memory_space<hbm>>
      tpu.wait_dma2 semaphore(%arg10 : memref<!tpu.dma_semaphore, #tpu.memory_space<semaphore_mem>>) src(%dma_wait3A_55 : memref<128x128xf32, #tpu.memory_space<hbm>>) dst(%arg7 : memref<128x128xf32, #tpu.memory_space<vmem>>)
      "tpu.region"() ({
        %run_scoped3A_65 = tpu.sem_alloc : memref<!tpu.dma_semaphore, #tpu.memory_space<semaphore_mem>>
        %dma_start3A_66 = arith.constant 0 : i32
        %dma_start3A_67 = tpu.memref_slice %arg6[%mul3A_24, %dma_start3A_66] : memref<80x128xi32, #tpu.memory_space<vmem>> -> memref<1x128xi32, #tpu.memory_space<vmem>>
        %dma_start3A_68 = tpu.memref_squeeze %dma_start3A_67 : memref<1x128xi32, #tpu.memory_space<vmem>> -> memref<128xi32, #tpu.memory_space<vmem>>
        %dma_start3A_69 = arith.constant 0 : i32
        %dma_start3A_70 = arith.constant 0 : i32
        %dma_start3A_71 = tpu.memref_slice %arg9[%dma_start3A_69, %dma_start3A_70] : memref<10112x128xf32, #tpu.memory_space<vmem_shared>> -> memref<10112x128xf32, #tpu.memory_space<vmem_shared>>
        tpu.enqueue_indirect_dma source(%arg7 : memref<128x128xf32, #tpu.memory_space<vmem>>) target(%dma_start3A_71 : memref<10112x128xf32, #tpu.memory_space<vmem_shared>>) offsets(%dma_start3A_68 : memref<128xi32, #tpu.memory_space<vmem>>) semaphore(%run_scoped3A_65 : memref<!tpu.dma_semaphore, #tpu.memory_space<semaphore_mem>>) {add = true}
        %dma_wait3A_72 = arith.constant 0 : i32
        %dma_wait3A_73 = tpu.memref_slice %arg6[%mul3A_24, %dma_wait3A_72] : memref<80x128xi32, #tpu.memory_space<vmem>> -> memref<1x128xi32, #tpu.memory_space<vmem>>
        %dma_wait3A_74 = tpu.memref_squeeze %dma_wait3A_73 : memref<1x128xi32, #tpu.memory_space<vmem>> -> memref<128xi32, #tpu.memory_space<vmem>>
        %dma_wait3A_75 = arith.constant 0 : i32
        %dma_wait3A_76 = arith.constant 0 : i32
        %dma_wait3A_77 = tpu.memref_slice %arg9[%dma_wait3A_75, %dma_wait3A_76] : memref<10112x128xf32, #tpu.memory_space<vmem_shared>> -> memref<10112x128xf32, #tpu.memory_space<vmem_shared>>
        tpu.wait_indirect_dma semaphore(%run_scoped3A_65 : memref<!tpu.dma_semaphore, #tpu.memory_space<semaphore_mem>>) src(%arg7 : memref<128x128xf32, #tpu.memory_space<vmem>>) dst(%dma_wait3A_77 : memref<10112x128xf32, #tpu.memory_space<vmem_shared>>)
        tpu.yield
      }) : () -> ()
      %dma_wait3A_56 = arith.constant 0 : i32
      %dma_wait3A_57 = arith.constant 0 : i32
      %dma_wait3A_58 = tpu.memref_slice %arg2[%dma_wait3A_56, %add3A_42, %dma_wait3A_57] : memref<2x327680x128xf32, #tpu.memory_space<hbm>> -> memref<1x128x128xf32, #tpu.memory_space<hbm>>
      %dma_wait3A_59 = tpu.memref_squeeze %dma_wait3A_58 : memref<1x128x128xf32, #tpu.memory_space<hbm>> -> memref<128x128xf32, #tpu.memory_space<hbm>>
      %dma_wait3A_60 = arith.constant 0 : i32
      %dma_wait3A_61 = tpu.memref_slice %arg2[%dma_wait3A_56, %add3A_42, %dma_wait3A_60] : memref<2x327680x128xf32, #tpu.memory_space<hbm>> -> memref<1x128x128xf32, #tpu.memory_space<hbm>>
      %dma_wait3A_62 = tpu.memref_squeeze %dma_wait3A_61 : memref<1x128x128xf32, #tpu.memory_space<hbm>> -> memref<128x128xf32, #tpu.memory_space<hbm>>
      tpu.wait_dma2 semaphore(%arg10 : memref<!tpu.dma_semaphore, #tpu.memory_space<semaphore_mem>>) src(%dma_wait3A_62 : memref<128x128xf32, #tpu.memory_space<hbm>>) dst(%arg8 : memref<128x128xf32, #tpu.memory_space<vmem>>)
      %add3A_63 = arith.constant 1 : i32
      %add3A_64 = arith.addi %mul3A_24, %add3A_63 : i32
      "tpu.region"() ({
        %run_scoped3A_65 = tpu.sem_alloc : memref<!tpu.dma_semaphore, #tpu.memory_space<semaphore_mem>>
        %dma_start3A_66 = arith.constant 0 : i32
        %dma_start3A_67 = tpu.memref_slice %arg6[%add3A_64, %dma_start3A_66] : memref<80x128xi32, #tpu.memory_space<vmem>> -> memref<1x128xi32, #tpu.memory_space<vmem>>
        %dma_start3A_68 = tpu.memref_squeeze %dma_start3A_67 : memref<1x128xi32, #tpu.memory_space<vmem>> -> memref<128xi32, #tpu.memory_space<vmem>>
        %dma_start3A_69 = arith.constant 0 : i32
        %dma_start3A_70 = arith.constant 0 : i32
        %dma_start3A_71 = tpu.memref_slice %arg9[%dma_start3A_69, %dma_start3A_70] : memref<10112x128xf32, #tpu.memory_space<vmem_shared>> -> memref<10112x128xf32, #tpu.memory_space<vmem_shared>>
        tpu.enqueue_indirect_dma source(%arg8 : memref<128x128xf32, #tpu.memory_space<vmem>>) target(%dma_start3A_71 : memref<10112x128xf32, #tpu.memory_space<vmem_shared>>) offsets(%dma_start3A_68 : memref<128xi32, #tpu.memory_space<vmem>>) semaphore(%run_scoped3A_65 : memref<!tpu.dma_semaphore, #tpu.memory_space<semaphore_mem>>) {add = true}
        %dma_wait3A_72 = arith.constant 0 : i32
        %dma_wait3A_73 = tpu.memref_slice %arg6[%add3A_64, %dma_wait3A_72] : memref<80x128xi32, #tpu.memory_space<vmem>> -> memref<1x128xi32, #tpu.memory_space<vmem>>
        %dma_wait3A_74 = tpu.memref_squeeze %dma_wait3A_73 : memref<1x128xi32, #tpu.memory_space<vmem>> -> memref<128xi32, #tpu.memory_space<vmem>>
        %dma_wait3A_75 = arith.constant 0 : i32
        %dma_wait3A_76 = arith.constant 0 : i32
        %dma_wait3A_77 = tpu.memref_slice %arg9[%dma_wait3A_75, %dma_wait3A_76] : memref<10112x128xf32, #tpu.memory_space<vmem_shared>> -> memref<10112x128xf32, #tpu.memory_space<vmem_shared>>
        tpu.wait_indirect_dma semaphore(%run_scoped3A_65 : memref<!tpu.dma_semaphore, #tpu.memory_space<semaphore_mem>>) src(%arg8 : memref<128x128xf32, #tpu.memory_space<vmem>>) dst(%dma_wait3A_77 : memref<10112x128xf32, #tpu.memory_space<vmem_shared>>)
        tpu.yield
      }) : () -> ()
    }
    %scan3A_9 = arith.constant 40 : i32
    %run_scoped3A_10 = arith.constant 1 : i32
    "tpu.region"() ({
      %run_scoped3A_22 = tpu.sem_alloc : memref<!tpu.dma_semaphore, #tpu.memory_space<semaphore_mem>>
      %dma_start3A = arith.constant 0 : i32
      %dma_start3A_23 = arith.constant 0 : i32
      %dma_start3A_24 = tpu.memref_slice %arg3[%run_scoped3A_10, %add3A, %dma_start3A, %dma_start3A_23] : memref<2x32x80x128xi32, #tpu.memory_space<hbm>> -> memref<1x1x80x128xi32, #tpu.memory_space<hbm>>
      %dma_start3A_25 = tpu.memref_squeeze %dma_start3A_24 : memref<1x1x80x128xi32, #tpu.memory_space<hbm>> -> memref<80x128xi32, #tpu.memory_space<hbm>>
      %dma_start3A_26 = arith.constant 0 : i32
      %dma_start3A_27 = arith.constant 0 : i32
      %dma_start3A_28 = tpu.memref_slice %arg3[%run_scoped3A_10, %add3A, %dma_start3A_26, %dma_start3A_27] : memref<2x32x80x128xi32, #tpu.memory_space<hbm>> -> memref<1x1x80x128xi32, #tpu.memory_space<hbm>>
      %dma_start3A_29 = tpu.memref_squeeze %dma_start3A_28 : memref<1x1x80x128xi32, #tpu.memory_space<hbm>> -> memref<80x128xi32, #tpu.memory_space<hbm>>
      tpu.enqueue_dma source(%dma_start3A_29 : memref<80x128xi32, #tpu.memory_space<hbm>>) target(%arg6 : memref<80x128xi32, #tpu.memory_space<vmem>>) target_semaphore(%run_scoped3A_22 : memref<!tpu.dma_semaphore, #tpu.memory_space<semaphore_mem>>)
      %dma_wait3A = arith.constant 0 : i32
      %dma_wait3A_30 = arith.constant 0 : i32
      %dma_wait3A_31 = tpu.memref_slice %arg3[%run_scoped3A_10, %add3A, %dma_wait3A, %dma_wait3A_30] : memref<2x32x80x128xi32, #tpu.memory_space<hbm>> -> memref<1x1x80x128xi32, #tpu.memory_space<hbm>>
      %dma_wait3A_32 = tpu.memref_squeeze %dma_wait3A_31 : memref<1x1x80x128xi32, #tpu.memory_space<hbm>> -> memref<80x128xi32, #tpu.memory_space<hbm>>
      %dma_wait3A_33 = arith.constant 0 : i32
      %dma_wait3A_34 = arith.constant 0 : i32
      %dma_wait3A_35 = tpu.memref_slice %arg3[%run_scoped3A_10, %add3A, %dma_wait3A_33, %dma_wait3A_34] : memref<2x32x80x128xi32, #tpu.memory_space<hbm>> -> memref<1x1x80x128xi32, #tpu.memory_space<hbm>>
      %dma_wait3A_36 = tpu.memref_squeeze %dma_wait3A_35 : memref<1x1x80x128xi32, #tpu.memory_space<hbm>> -> memref<80x128xi32, #tpu.memory_space<hbm>>
      tpu.wait_dma2 semaphore(%run_scoped3A_22 : memref<!tpu.dma_semaphore, #tpu.memory_space<semaphore_mem>>) src(%dma_wait3A_36 : memref<80x128xi32, #tpu.memory_space<hbm>>) dst(%arg6 : memref<80x128xi32, #tpu.memory_space<vmem>>)
      tpu.yield
    }) : () -> ()
    %scan3A_11 = arith.constant 0 : i32
    %scan3A_12 = arith.constant 0 : i32
    %scan3A_13 = arith.constant 40 : i32
    %scan3A_14 = arith.addi %scan3A_12, %scan3A_13 : i32
    %scan3A_15 = arith.constant 1 : i32
    scf.for %scan3A_22 = %scan3A_12 to %scan3A_14 step %scan3A_15  : i32 {
      %mul3A_23 = arith.constant 2 : i32
      %mul3A_24 = arith.muli %mul3A_23, %scan3A_22 : i32
      %mul3A_25 = arith.constant 10240 : i32
      %mul3A_26 = arith.muli %add3A, %mul3A_25 : i32
      %mul3A_27 = arith.constant 128 : i32
      %mul3A_28 = arith.muli %mul3A_24, %mul3A_27 : i32
      %add3A_29 = arith.addi %mul3A_26, %mul3A_28 : i32
      %dma_start3A = arith.constant 1 : i32
      %dma_start3A_30 = arith.constant 0 : i32
      %dma_start3A_31 = tpu.memref_slice %arg2[%dma_start3A, %add3A_29, %dma_start3A_30] : memref<2x327680x128xf32, #tpu.memory_space<hbm>> -> memref<1x128x128xf32, #tpu.memory_space<hbm>>
      %dma_start3A_32 = tpu.memref_squeeze %dma_start3A_31 : memref<1x128x128xf32, #tpu.memory_space<hbm>> -> memref<128x128xf32, #tpu.memory_space<hbm>>
      %dma_start3A_33 = arith.constant 0 : i32
      %dma_start3A_34 = tpu.memref_slice %arg2[%dma_start3A, %add3A_29, %dma_start3A_33] : memref<2x327680x128xf32, #tpu.memory_space<hbm>> -> memref<1x128x128xf32, #tpu.memory_space<hbm>>
      %dma_start3A_35 = tpu.memref_squeeze %dma_start3A_34 : memref<1x128x128xf32, #tpu.memory_space<hbm>> -> memref<128x128xf32, #tpu.memory_space<hbm>>
      tpu.enqueue_dma source(%dma_start3A_35 : memref<128x128xf32, #tpu.memory_space<hbm>>) target(%arg7 : memref<128x128xf32, #tpu.memory_space<vmem>>) target_semaphore(%arg10 : memref<!tpu.dma_semaphore, #tpu.memory_space<semaphore_mem>>)
      %mul3A_36 = arith.constant 10240 : i32
      %mul3A_37 = arith.muli %add3A, %mul3A_36 : i32
      %add3A_38 = arith.constant 1 : i32
      %add3A_39 = arith.addi %mul3A_24, %add3A_38 : i32
      %mul3A_40 = arith.constant 128 : i32
      %mul3A_41 = arith.muli %add3A_39, %mul3A_40 : i32
      %add3A_42 = arith.addi %mul3A_37, %mul3A_41 : i32
      %dma_start3A_43 = arith.constant 1 : i32
      %dma_start3A_44 = arith.constant 0 : i32
      %dma_start3A_45 = tpu.memref_slice %arg2[%dma_start3A_43, %add3A_42, %dma_start3A_44] : memref<2x327680x128xf32, #tpu.memory_space<hbm>> -> memref<1x128x128xf32, #tpu.memory_space<hbm>>
      %dma_start3A_46 = tpu.memref_squeeze %dma_start3A_45 : memref<1x128x128xf32, #tpu.memory_space<hbm>> -> memref<128x128xf32, #tpu.memory_space<hbm>>
      %dma_start3A_47 = arith.constant 0 : i32
      %dma_start3A_48 = tpu.memref_slice %arg2[%dma_start3A_43, %add3A_42, %dma_start3A_47] : memref<2x327680x128xf32, #tpu.memory_space<hbm>> -> memref<1x128x128xf32, #tpu.memory_space<hbm>>
      %dma_start3A_49 = tpu.memref_squeeze %dma_start3A_48 : memref<1x128x128xf32, #tpu.memory_space<hbm>> -> memref<128x128xf32, #tpu.memory_space<hbm>>
      tpu.enqueue_dma source(%dma_start3A_49 : memref<128x128xf32, #tpu.memory_space<hbm>>) target(%arg8 : memref<128x128xf32, #tpu.memory_space<vmem>>) target_semaphore(%arg10 : memref<!tpu.dma_semaphore, #tpu.memory_space<semaphore_mem>>)
      %dma_wait3A = arith.constant 1 : i32
      %dma_wait3A_50 = arith.constant 0 : i32
      %dma_wait3A_51 = tpu.memref_slice %arg2[%dma_wait3A, %add3A_29, %dma_wait3A_50] : memref<2x327680x128xf32, #tpu.memory_space<hbm>> -> memref<1x128x128xf32, #tpu.memory_space<hbm>>
      %dma_wait3A_52 = tpu.memref_squeeze %dma_wait3A_51 : memref<1x128x128xf32, #tpu.memory_space<hbm>> -> memref<128x128xf32, #tpu.memory_space<hbm>>
      %dma_wait3A_53 = arith.constant 0 : i32
      %dma_wait3A_54 = tpu.memref_slice %arg2[%dma_wait3A, %add3A_29, %dma_wait3A_53] : memref<2x327680x128xf32, #tpu.memory_space<hbm>> -> memref<1x128x128xf32, #tpu.memory_space<hbm>>
      %dma_wait3A_55 = tpu.memref_squeeze %dma_wait3A_54 : memref<1x128x128xf32, #tpu.memory_space<hbm>> -> memref<128x128xf32, #tpu.memory_space<hbm>>
      tpu.wait_dma2 semaphore(%arg10 : memref<!tpu.dma_semaphore, #tpu.memory_space<semaphore_mem>>) src(%dma_wait3A_55 : memref<128x128xf32, #tpu.memory_space<hbm>>) dst(%arg7 : memref<128x128xf32, #tpu.memory_space<vmem>>)
      "tpu.region"() ({
        %run_scoped3A_65 = tpu.sem_alloc : memref<!tpu.dma_semaphore, #tpu.memory_space<semaphore_mem>>
        %dma_start3A_66 = arith.constant 0 : i32
        %dma_start3A_67 = tpu.memref_slice %arg6[%mul3A_24, %dma_start3A_66] : memref<80x128xi32, #tpu.memory_space<vmem>> -> memref<1x128xi32, #tpu.memory_space<vmem>>
        %dma_start3A_68 = tpu.memref_squeeze %dma_start3A_67 : memref<1x128xi32, #tpu.memory_space<vmem>> -> memref<128xi32, #tpu.memory_space<vmem>>
        %dma_start3A_69 = arith.constant 0 : i32
        %dma_start3A_70 = arith.constant 0 : i32
        %dma_start3A_71 = tpu.memref_slice %arg9[%dma_start3A_69, %dma_start3A_70] : memref<10112x128xf32, #tpu.memory_space<vmem_shared>> -> memref<10112x128xf32, #tpu.memory_space<vmem_shared>>
        tpu.enqueue_indirect_dma source(%arg7 : memref<128x128xf32, #tpu.memory_space<vmem>>) target(%dma_start3A_71 : memref<10112x128xf32, #tpu.memory_space<vmem_shared>>) offsets(%dma_start3A_68 : memref<128xi32, #tpu.memory_space<vmem>>) semaphore(%run_scoped3A_65 : memref<!tpu.dma_semaphore, #tpu.memory_space<semaphore_mem>>) {add = true}
        %dma_wait3A_72 = arith.constant 0 : i32
        %dma_wait3A_73 = tpu.memref_slice %arg6[%mul3A_24, %dma_wait3A_72] : memref<80x128xi32, #tpu.memory_space<vmem>> -> memref<1x128xi32, #tpu.memory_space<vmem>>
        %dma_wait3A_74 = tpu.memref_squeeze %dma_wait3A_73 : memref<1x128xi32, #tpu.memory_space<vmem>> -> memref<128xi32, #tpu.memory_space<vmem>>
        %dma_wait3A_75 = arith.constant 0 : i32
        %dma_wait3A_76 = arith.constant 0 : i32
        %dma_wait3A_77 = tpu.memref_slice %arg9[%dma_wait3A_75, %dma_wait3A_76] : memref<10112x128xf32, #tpu.memory_space<vmem_shared>> -> memref<10112x128xf32, #tpu.memory_space<vmem_shared>>
        tpu.wait_indirect_dma semaphore(%run_scoped3A_65 : memref<!tpu.dma_semaphore, #tpu.memory_space<semaphore_mem>>) src(%arg7 : memref<128x128xf32, #tpu.memory_space<vmem>>) dst(%dma_wait3A_77 : memref<10112x128xf32, #tpu.memory_space<vmem_shared>>)
        tpu.yield
      }) : () -> ()
      %dma_wait3A_56 = arith.constant 1 : i32
      %dma_wait3A_57 = arith.constant 0 : i32
      %dma_wait3A_58 = tpu.memref_slice %arg2[%dma_wait3A_56, %add3A_42, %dma_wait3A_57] : memref<2x327680x128xf32, #tpu.memory_space<hbm>> -> memref<1x128x128xf32, #tpu.memory_space<hbm>>
      %dma_wait3A_59 = tpu.memref_squeeze %dma_wait3A_58 : memref<1x128x128xf32, #tpu.memory_space<hbm>> -> memref<128x128xf32, #tpu.memory_space<hbm>>
      %dma_wait3A_60 = arith.constant 0 : i32
      %dma_wait3A_61 = tpu.memref_slice %arg2[%dma_wait3A_56, %add3A_42, %dma_wait3A_60] : memref<2x327680x128xf32, #tpu.memory_space<hbm>> -> memref<1x128x128xf32, #tpu.memory_space<hbm>>
      %dma_wait3A_62 = tpu.memref_squeeze %dma_wait3A_61 : memref<1x128x128xf32, #tpu.memory_space<hbm>> -> memref<128x128xf32, #tpu.memory_space<hbm>>
      tpu.wait_dma2 semaphore(%arg10 : memref<!tpu.dma_semaphore, #tpu.memory_space<semaphore_mem>>) src(%dma_wait3A_62 : memref<128x128xf32, #tpu.memory_space<hbm>>) dst(%arg8 : memref<128x128xf32, #tpu.memory_space<vmem>>)
      %add3A_63 = arith.constant 1 : i32
      %add3A_64 = arith.addi %mul3A_24, %add3A_63 : i32
      "tpu.region"() ({
        %run_scoped3A_65 = tpu.sem_alloc : memref<!tpu.dma_semaphore, #tpu.memory_space<semaphore_mem>>
        %dma_start3A_66 = arith.constant 0 : i32
        %dma_start3A_67 = tpu.memref_slice %arg6[%add3A_64, %dma_start3A_66] : memref<80x128xi32, #tpu.memory_space<vmem>> -> memref<1x128xi32, #tpu.memory_space<vmem>>
        %dma_start3A_68 = tpu.memref_squeeze %dma_start3A_67 : memref<1x128xi32, #tpu.memory_space<vmem>> -> memref<128xi32, #tpu.memory_space<vmem>>
        %dma_start3A_69 = arith.constant 0 : i32
        %dma_start3A_70 = arith.constant 0 : i32
        %dma_start3A_71 = tpu.memref_slice %arg9[%dma_start3A_69, %dma_start3A_70] : memref<10112x128xf32, #tpu.memory_space<vmem_shared>> -> memref<10112x128xf32, #tpu.memory_space<vmem_shared>>
        tpu.enqueue_indirect_dma source(%arg8 : memref<128x128xf32, #tpu.memory_space<vmem>>) target(%dma_start3A_71 : memref<10112x128xf32, #tpu.memory_space<vmem_shared>>) offsets(%dma_start3A_68 : memref<128xi32, #tpu.memory_space<vmem>>) semaphore(%run_scoped3A_65 : memref<!tpu.dma_semaphore, #tpu.memory_space<semaphore_mem>>) {add = true}
        %dma_wait3A_72 = arith.constant 0 : i32
        %dma_wait3A_73 = tpu.memref_slice %arg6[%add3A_64, %dma_wait3A_72] : memref<80x128xi32, #tpu.memory_space<vmem>> -> memref<1x128xi32, #tpu.memory_space<vmem>>
        %dma_wait3A_74 = tpu.memref_squeeze %dma_wait3A_73 : memref<1x128xi32, #tpu.memory_space<vmem>> -> memref<128xi32, #tpu.memory_space<vmem>>
        %dma_wait3A_75 = arith.constant 0 : i32
        %dma_wait3A_76 = arith.constant 0 : i32
        %dma_wait3A_77 = tpu.memref_slice %arg9[%dma_wait3A_75, %dma_wait3A_76] : memref<10112x128xf32, #tpu.memory_space<vmem_shared>> -> memref<10112x128xf32, #tpu.memory_space<vmem_shared>>
        tpu.wait_indirect_dma semaphore(%run_scoped3A_65 : memref<!tpu.dma_semaphore, #tpu.memory_space<semaphore_mem>>) src(%arg8 : memref<128x128xf32, #tpu.memory_space<vmem>>) dst(%dma_wait3A_77 : memref<10112x128xf32, #tpu.memory_space<vmem_shared>>)
        tpu.yield
      }) : () -> ()
    }
    %scan3A_16 = arith.constant 40 : i32
    %barrier3A_17 = arith.constant 0 : index
    tpu.barrier barrier_id(%barrier3A_17)
    %mul3A_18 = arith.constant 632 : i32
    %mul3A_19 = arith.muli %arg1, %mul3A_18 : i32
    %mul3A_20 = arith.constant 632 : i32
    %mul3A_21 = arith.muli %arg1, %mul3A_20 : i32
    "tpu.region"() ({
      %run_scoped3A_22 = tpu.sem_alloc : memref<!tpu.dma_semaphore, #tpu.memory_space<semaphore_mem>>
      %dma_start3A = arith.constant 0 : i32
      %dma_start3A_23 = tpu.memref_slice %arg5[%arg0, %mul3A_21, %dma_start3A] : memref<2x10112x128xf32, #tpu.memory_space<hbm>> -> memref<1x632x128xf32, #tpu.memory_space<hbm>>
      %dma_start3A_24 = tpu.memref_squeeze %dma_start3A_23 : memref<1x632x128xf32, #tpu.memory_space<hbm>> -> memref<632x128xf32, #tpu.memory_space<hbm>>
      %dma_start3A_25 = arith.constant 0 : i32
      %dma_start3A_26 = tpu.memref_slice %arg9[%mul3A_19, %dma_start3A_25] : memref<10112x128xf32, #tpu.memory_space<vmem_shared>> -> memref<632x128xf32, #tpu.memory_space<vmem_shared>>
      tpu.enqueue_dma source(%dma_start3A_26 : memref<632x128xf32, #tpu.memory_space<vmem_shared>>) target(%dma_start3A_24 : memref<632x128xf32, #tpu.memory_space<hbm>>) target_semaphore(%run_scoped3A_22 : memref<!tpu.dma_semaphore, #tpu.memory_space<semaphore_mem>>)
      %dma_wait3A = arith.constant 0 : i32
      %dma_wait3A_27 = tpu.memref_slice %arg5[%arg0, %mul3A_21, %dma_wait3A] : memref<2x10112x128xf32, #tpu.memory_space<hbm>> -> memref<1x632x128xf32, #tpu.memory_space<hbm>>
      %dma_wait3A_28 = tpu.memref_squeeze %dma_wait3A_27 : memref<1x632x128xf32, #tpu.memory_space<hbm>> -> memref<632x128xf32, #tpu.memory_space<hbm>>
      %dma_wait3A_29 = arith.constant 0 : i32
      %dma_wait3A_30 = tpu.memref_slice %arg9[%mul3A_19, %dma_wait3A_29] : memref<10112x128xf32, #tpu.memory_space<vmem_shared>> -> memref<632x128xf32, #tpu.memory_space<vmem_shared>>
      tpu.wait_dma2 semaphore(%run_scoped3A_22 : memref<!tpu.dma_semaphore, #tpu.memory_space<semaphore_mem>>) src(%dma_wait3A_30 : memref<632x128xf32, #tpu.memory_space<vmem_shared>>) dst(%dma_wait3A_28 : memref<632x128xf32, #tpu.memory_space<hbm>>)
      tpu.yield
    }) : () -> ()
    return
  }
}

#map = affine_map<(d0, d1) -> (0, 0)>
#map1 = affine_map<(d0, d1) -> (0, 0, 0, 0)>
#map2 = affine_map<(d0, d1) -> (0, 0, 0)>
module attributes {stable_mosaic.version = 14 : i64} {
  func.func @gather_k(%arg0: i32, %arg1: i32, %arg2: memref<10112x128xf32, #tpu.memory_space<hbm>>, %arg3: memref<2x32x80x128xi32, #tpu.memory_space<hbm>>, %arg4: memref<2x327680x128xf32, #tpu.memory_space<hbm>>, %arg5: memref<80x128xi32, #tpu.memory_space<vmem>>, %arg6: memref<128x128xf32, #tpu.memory_space<vmem>>, %arg7: memref<128x128xf32, #tpu.memory_space<vmem>>, %arg8: memref<!tpu.dma_semaphore, #tpu.memory_space<semaphore_mem>>, %arg9: memref<!tpu.dma_semaphore, #tpu.memory_space<semaphore_mem>>) attributes {dimension_semantics = [#tpu.dimension_semantics<core_parallel>, #tpu.dimension_semantics<subcore_parallel>], iteration_bounds = array<i64: 2, 16>, scalar_prefetch = 0 : i64, scratch_operands = 5 : i64, tpu.core_type = #tpu.core_type<sc_vector_subcore>, window_params = [{transform_indices = #map}, {transform_indices = #map1}, {transform_indices = #map2}]} {
    %mul3A = arith.constant 2 : i32
    %mul3A_0 = arith.muli %arg1, %mul3A : i32
    %add3A = arith.addi %mul3A_0, %arg0 : i32
    %run_scoped3A = arith.constant 0 : i32
    "tpu.region"() ({
      %run_scoped3A_13 = tpu.sem_alloc : memref<!tpu.dma_semaphore, #tpu.memory_space<semaphore_mem>>
      %dma_start3A = arith.constant 0 : i32
      %dma_start3A_14 = arith.constant 0 : i32
      %dma_start3A_15 = tpu.memref_slice %arg3[%run_scoped3A, %add3A, %dma_start3A, %dma_start3A_14] : memref<2x32x80x128xi32, #tpu.memory_space<hbm>> -> memref<1x1x80x128xi32, #tpu.memory_space<hbm>>
      %dma_start3A_16 = tpu.memref_squeeze %dma_start3A_15 : memref<1x1x80x128xi32, #tpu.memory_space<hbm>> -> memref<80x128xi32, #tpu.memory_space<hbm>>
      %dma_start3A_17 = arith.constant 0 : i32
      %dma_start3A_18 = arith.constant 0 : i32
      %dma_start3A_19 = tpu.memref_slice %arg3[%run_scoped3A, %add3A, %dma_start3A_17, %dma_start3A_18] : memref<2x32x80x128xi32, #tpu.memory_space<hbm>> -> memref<1x1x80x128xi32, #tpu.memory_space<hbm>>
      %dma_start3A_20 = tpu.memref_squeeze %dma_start3A_19 : memref<1x1x80x128xi32, #tpu.memory_space<hbm>> -> memref<80x128xi32, #tpu.memory_space<hbm>>
      tpu.enqueue_dma source(%dma_start3A_20 : memref<80x128xi32, #tpu.memory_space<hbm>>) target(%arg5 : memref<80x128xi32, #tpu.memory_space<vmem>>) target_semaphore(%run_scoped3A_13 : memref<!tpu.dma_semaphore, #tpu.memory_space<semaphore_mem>>)
      %dma_wait3A = arith.constant 0 : i32
      %dma_wait3A_21 = arith.constant 0 : i32
      %dma_wait3A_22 = tpu.memref_slice %arg3[%run_scoped3A, %add3A, %dma_wait3A, %dma_wait3A_21] : memref<2x32x80x128xi32, #tpu.memory_space<hbm>> -> memref<1x1x80x128xi32, #tpu.memory_space<hbm>>
      %dma_wait3A_23 = tpu.memref_squeeze %dma_wait3A_22 : memref<1x1x80x128xi32, #tpu.memory_space<hbm>> -> memref<80x128xi32, #tpu.memory_space<hbm>>
      %dma_wait3A_24 = arith.constant 0 : i32
      %dma_wait3A_25 = arith.constant 0 : i32
      %dma_wait3A_26 = tpu.memref_slice %arg3[%run_scoped3A, %add3A, %dma_wait3A_24, %dma_wait3A_25] : memref<2x32x80x128xi32, #tpu.memory_space<hbm>> -> memref<1x1x80x128xi32, #tpu.memory_space<hbm>>
      %dma_wait3A_27 = tpu.memref_squeeze %dma_wait3A_26 : memref<1x1x80x128xi32, #tpu.memory_space<hbm>> -> memref<80x128xi32, #tpu.memory_space<hbm>>
      tpu.wait_dma2 semaphore(%run_scoped3A_13 : memref<!tpu.dma_semaphore, #tpu.memory_space<semaphore_mem>>) src(%dma_wait3A_27 : memref<80x128xi32, #tpu.memory_space<hbm>>) dst(%arg5 : memref<80x128xi32, #tpu.memory_space<vmem>>)
      tpu.yield
    }) : () -> ()
    %scan3A = arith.constant 0 : i32
    %scan3A_1 = arith.constant 0 : i32
    %scan3A_2 = arith.constant 40 : i32
    %scan3A_3 = arith.addi %scan3A_1, %scan3A_2 : i32
    %scan3A_4 = arith.constant 1 : i32
    scf.for %scan3A_13 = %scan3A_1 to %scan3A_3 step %scan3A_4  : i32 {
      %mul3A_14 = arith.constant 2 : i32
      %mul3A_15 = arith.muli %mul3A_14, %scan3A_13 : i32
      %dma_start3A = arith.constant 0 : i32
      %dma_start3A_16 = tpu.memref_slice %arg5[%mul3A_15, %dma_start3A] : memref<80x128xi32, #tpu.memory_space<vmem>> -> memref<1x128xi32, #tpu.memory_space<vmem>>
      %dma_start3A_17 = tpu.memref_squeeze %dma_start3A_16 : memref<1x128xi32, #tpu.memory_space<vmem>> -> memref<128xi32, #tpu.memory_space<vmem>>
      %dma_start3A_18 = arith.constant 0 : i32
      %dma_start3A_19 = arith.constant 0 : i32
      %dma_start3A_20 = tpu.memref_slice %arg2[%dma_start3A_18, %dma_start3A_19] : memref<10112x128xf32, #tpu.memory_space<hbm>> -> memref<10112x128xf32, #tpu.memory_space<hbm>>
      tpu.enqueue_indirect_dma source(%dma_start3A_20 : memref<10112x128xf32, #tpu.memory_space<hbm>>) target(%arg6 : memref<128x128xf32, #tpu.memory_space<vmem>>) offsets(%dma_start3A_17 : memref<128xi32, #tpu.memory_space<vmem>>) semaphore(%arg8 : memref<!tpu.dma_semaphore, #tpu.memory_space<semaphore_mem>>)
      %add3A_21 = arith.constant 1 : i32
      %add3A_22 = arith.addi %mul3A_15, %add3A_21 : i32
      %dma_start3A_23 = arith.constant 0 : i32
      %dma_start3A_24 = tpu.memref_slice %arg5[%add3A_22, %dma_start3A_23] : memref<80x128xi32, #tpu.memory_space<vmem>> -> memref<1x128xi32, #tpu.memory_space<vmem>>
      %dma_start3A_25 = tpu.memref_squeeze %dma_start3A_24 : memref<1x128xi32, #tpu.memory_space<vmem>> -> memref<128xi32, #tpu.memory_space<vmem>>
      %dma_start3A_26 = arith.constant 0 : i32
      %dma_start3A_27 = arith.constant 0 : i32
      %dma_start3A_28 = tpu.memref_slice %arg2[%dma_start3A_26, %dma_start3A_27] : memref<10112x128xf32, #tpu.memory_space<hbm>> -> memref<10112x128xf32, #tpu.memory_space<hbm>>
      tpu.enqueue_indirect_dma source(%dma_start3A_28 : memref<10112x128xf32, #tpu.memory_space<hbm>>) target(%arg7 : memref<128x128xf32, #tpu.memory_space<vmem>>) offsets(%dma_start3A_25 : memref<128xi32, #tpu.memory_space<vmem>>) semaphore(%arg8 : memref<!tpu.dma_semaphore, #tpu.memory_space<semaphore_mem>>)
      %dma_wait3A = arith.constant 0 : i32
      %dma_wait3A_29 = tpu.memref_slice %arg5[%mul3A_15, %dma_wait3A] : memref<80x128xi32, #tpu.memory_space<vmem>> -> memref<1x128xi32, #tpu.memory_space<vmem>>
      %dma_wait3A_30 = tpu.memref_squeeze %dma_wait3A_29 : memref<1x128xi32, #tpu.memory_space<vmem>> -> memref<128xi32, #tpu.memory_space<vmem>>
      %dma_wait3A_31 = arith.constant 0 : i32
      %dma_wait3A_32 = arith.constant 0 : i32
      %dma_wait3A_33 = tpu.memref_slice %arg2[%dma_wait3A_31, %dma_wait3A_32] : memref<10112x128xf32, #tpu.memory_space<hbm>> -> memref<10112x128xf32, #tpu.memory_space<hbm>>
      tpu.wait_indirect_dma semaphore(%arg8 : memref<!tpu.dma_semaphore, #tpu.memory_space<semaphore_mem>>) src(%dma_wait3A_33 : memref<10112x128xf32, #tpu.memory_space<hbm>>) dst(%arg6 : memref<128x128xf32, #tpu.memory_space<vmem>>)
      %mul3A_34 = arith.constant 10240 : i32
      %mul3A_35 = arith.muli %add3A, %mul3A_34 : i32
      %mul3A_36 = arith.constant 128 : i32
      %mul3A_37 = arith.muli %mul3A_15, %mul3A_36 : i32
      %add3A_38 = arith.addi %mul3A_35, %mul3A_37 : i32
      %dma_start3A_39 = arith.constant 0 : i32
      %dma_start3A_40 = arith.constant 0 : i32
      %dma_start3A_41 = tpu.memref_slice %arg4[%dma_start3A_39, %add3A_38, %dma_start3A_40] : memref<2x327680x128xf32, #tpu.memory_space<hbm>> -> memref<1x128x128xf32, #tpu.memory_space<hbm>>
      %dma_start3A_42 = tpu.memref_squeeze %dma_start3A_41 : memref<1x128x128xf32, #tpu.memory_space<hbm>> -> memref<128x128xf32, #tpu.memory_space<hbm>>
      %dma_start3A_43 = arith.constant 0 : i32
      %dma_start3A_44 = tpu.memref_slice %arg4[%dma_start3A_39, %add3A_38, %dma_start3A_43] : memref<2x327680x128xf32, #tpu.memory_space<hbm>> -> memref<1x128x128xf32, #tpu.memory_space<hbm>>
      %dma_start3A_45 = tpu.memref_squeeze %dma_start3A_44 : memref<1x128x128xf32, #tpu.memory_space<hbm>> -> memref<128x128xf32, #tpu.memory_space<hbm>>
      tpu.enqueue_dma source(%arg6 : memref<128x128xf32, #tpu.memory_space<vmem>>) target(%dma_start3A_45 : memref<128x128xf32, #tpu.memory_space<hbm>>) target_semaphore(%arg9 : memref<!tpu.dma_semaphore, #tpu.memory_space<semaphore_mem>>)
      %dma_wait3A_46 = arith.constant 0 : i32
      %dma_wait3A_47 = tpu.memref_slice %arg5[%add3A_22, %dma_wait3A_46] : memref<80x128xi32, #tpu.memory_space<vmem>> -> memref<1x128xi32, #tpu.memory_space<vmem>>
      %dma_wait3A_48 = tpu.memref_squeeze %dma_wait3A_47 : memref<1x128xi32, #tpu.memory_space<vmem>> -> memref<128xi32, #tpu.memory_space<vmem>>
      %dma_wait3A_49 = arith.constant 0 : i32
      %dma_wait3A_50 = arith.constant 0 : i32
      %dma_wait3A_51 = tpu.memref_slice %arg2[%dma_wait3A_49, %dma_wait3A_50] : memref<10112x128xf32, #tpu.memory_space<hbm>> -> memref<10112x128xf32, #tpu.memory_space<hbm>>
      tpu.wait_indirect_dma semaphore(%arg8 : memref<!tpu.dma_semaphore, #tpu.memory_space<semaphore_mem>>) src(%dma_wait3A_51 : memref<10112x128xf32, #tpu.memory_space<hbm>>) dst(%arg7 : memref<128x128xf32, #tpu.memory_space<vmem>>)
      %mul3A_52 = arith.constant 10240 : i32
      %mul3A_53 = arith.muli %add3A, %mul3A_52 : i32
      %add3A_54 = arith.constant 1 : i32
      %add3A_55 = arith.addi %mul3A_15, %add3A_54 : i32
      %mul3A_56 = arith.constant 128 : i32
      %mul3A_57 = arith.muli %add3A_55, %mul3A_56 : i32
      %add3A_58 = arith.addi %mul3A_53, %mul3A_57 : i32
      %dma_start3A_59 = arith.constant 0 : i32
      %dma_start3A_60 = arith.constant 0 : i32
      %dma_start3A_61 = tpu.memref_slice %arg4[%dma_start3A_59, %add3A_58, %dma_start3A_60] : memref<2x327680x128xf32, #tpu.memory_space<hbm>> -> memref<1x128x128xf32, #tpu.memory_space<hbm>>
      %dma_start3A_62 = tpu.memref_squeeze %dma_start3A_61 : memref<1x128x128xf32, #tpu.memory_space<hbm>> -> memref<128x128xf32, #tpu.memory_space<hbm>>
      %dma_start3A_63 = arith.constant 0 : i32
      %dma_start3A_64 = tpu.memref_slice %arg4[%dma_start3A_59, %add3A_58, %dma_start3A_63] : memref<2x327680x128xf32, #tpu.memory_space<hbm>> -> memref<1x128x128xf32, #tpu.memory_space<hbm>>
      %dma_start3A_65 = tpu.memref_squeeze %dma_start3A_64 : memref<1x128x128xf32, #tpu.memory_space<hbm>> -> memref<128x128xf32, #tpu.memory_space<hbm>>
      tpu.enqueue_dma source(%arg7 : memref<128x128xf32, #tpu.memory_space<vmem>>) target(%dma_start3A_65 : memref<128x128xf32, #tpu.memory_space<hbm>>) target_semaphore(%arg9 : memref<!tpu.dma_semaphore, #tpu.memory_space<semaphore_mem>>)
      %dma_wait3A_66 = arith.constant 0 : i32
      %dma_wait3A_67 = arith.constant 0 : i32
      %dma_wait3A_68 = tpu.memref_slice %arg4[%dma_wait3A_66, %add3A_38, %dma_wait3A_67] : memref<2x327680x128xf32, #tpu.memory_space<hbm>> -> memref<1x128x128xf32, #tpu.memory_space<hbm>>
      %dma_wait3A_69 = tpu.memref_squeeze %dma_wait3A_68 : memref<1x128x128xf32, #tpu.memory_space<hbm>> -> memref<128x128xf32, #tpu.memory_space<hbm>>
      %dma_wait3A_70 = arith.constant 0 : i32
      %dma_wait3A_71 = tpu.memref_slice %arg4[%dma_wait3A_66, %add3A_38, %dma_wait3A_70] : memref<2x327680x128xf32, #tpu.memory_space<hbm>> -> memref<1x128x128xf32, #tpu.memory_space<hbm>>
      %dma_wait3A_72 = tpu.memref_squeeze %dma_wait3A_71 : memref<1x128x128xf32, #tpu.memory_space<hbm>> -> memref<128x128xf32, #tpu.memory_space<hbm>>
      tpu.wait_dma2 semaphore(%arg9 : memref<!tpu.dma_semaphore, #tpu.memory_space<semaphore_mem>>) src(%arg6 : memref<128x128xf32, #tpu.memory_space<vmem>>) dst(%dma_wait3A_72 : memref<128x128xf32, #tpu.memory_space<hbm>>)
      %dma_wait3A_73 = arith.constant 0 : i32
      %dma_wait3A_74 = arith.constant 0 : i32
      %dma_wait3A_75 = tpu.memref_slice %arg4[%dma_wait3A_73, %add3A_58, %dma_wait3A_74] : memref<2x327680x128xf32, #tpu.memory_space<hbm>> -> memref<1x128x128xf32, #tpu.memory_space<hbm>>
      %dma_wait3A_76 = tpu.memref_squeeze %dma_wait3A_75 : memref<1x128x128xf32, #tpu.memory_space<hbm>> -> memref<128x128xf32, #tpu.memory_space<hbm>>
      %dma_wait3A_77 = arith.constant 0 : i32
      %dma_wait3A_78 = tpu.memref_slice %arg4[%dma_wait3A_73, %add3A_58, %dma_wait3A_77] : memref<2x327680x128xf32, #tpu.memory_space<hbm>> -> memref<1x128x128xf32, #tpu.memory_space<hbm>>
      %dma_wait3A_79 = tpu.memref_squeeze %dma_wait3A_78 : memref<1x128x128xf32, #tpu.memory_space<hbm>> -> memref<128x128xf32, #tpu.memory_space<hbm>>
      tpu.wait_dma2 semaphore(%arg9 : memref<!tpu.dma_semaphore, #tpu.memory_space<semaphore_mem>>) src(%arg7 : memref<128x128xf32, #tpu.memory_space<vmem>>) dst(%dma_wait3A_79 : memref<128x128xf32, #tpu.memory_space<hbm>>)
    }
    %scan3A_5 = arith.constant 40 : i32
    %run_scoped3A_6 = arith.constant 1 : i32
    "tpu.region"() ({
      %run_scoped3A_13 = tpu.sem_alloc : memref<!tpu.dma_semaphore, #tpu.memory_space<semaphore_mem>>
      %dma_start3A = arith.constant 0 : i32
      %dma_start3A_14 = arith.constant 0 : i32
      %dma_start3A_15 = tpu.memref_slice %arg3[%run_scoped3A_6, %add3A, %dma_start3A, %dma_start3A_14] : memref<2x32x80x128xi32, #tpu.memory_space<hbm>> -> memref<1x1x80x128xi32, #tpu.memory_space<hbm>>
      %dma_start3A_16 = tpu.memref_squeeze %dma_start3A_15 : memref<1x1x80x128xi32, #tpu.memory_space<hbm>> -> memref<80x128xi32, #tpu.memory_space<hbm>>
      %dma_start3A_17 = arith.constant 0 : i32
      %dma_start3A_18 = arith.constant 0 : i32
      %dma_start3A_19 = tpu.memref_slice %arg3[%run_scoped3A_6, %add3A, %dma_start3A_17, %dma_start3A_18] : memref<2x32x80x128xi32, #tpu.memory_space<hbm>> -> memref<1x1x80x128xi32, #tpu.memory_space<hbm>>
      %dma_start3A_20 = tpu.memref_squeeze %dma_start3A_19 : memref<1x1x80x128xi32, #tpu.memory_space<hbm>> -> memref<80x128xi32, #tpu.memory_space<hbm>>
      tpu.enqueue_dma source(%dma_start3A_20 : memref<80x128xi32, #tpu.memory_space<hbm>>) target(%arg5 : memref<80x128xi32, #tpu.memory_space<vmem>>) target_semaphore(%run_scoped3A_13 : memref<!tpu.dma_semaphore, #tpu.memory_space<semaphore_mem>>)
      %dma_wait3A = arith.constant 0 : i32
      %dma_wait3A_21 = arith.constant 0 : i32
      %dma_wait3A_22 = tpu.memref_slice %arg3[%run_scoped3A_6, %add3A, %dma_wait3A, %dma_wait3A_21] : memref<2x32x80x128xi32, #tpu.memory_space<hbm>> -> memref<1x1x80x128xi32, #tpu.memory_space<hbm>>
      %dma_wait3A_23 = tpu.memref_squeeze %dma_wait3A_22 : memref<1x1x80x128xi32, #tpu.memory_space<hbm>> -> memref<80x128xi32, #tpu.memory_space<hbm>>
      %dma_wait3A_24 = arith.constant 0 : i32
      %dma_wait3A_25 = arith.constant 0 : i32
      %dma_wait3A_26 = tpu.memref_slice %arg3[%run_scoped3A_6, %add3A, %dma_wait3A_24, %dma_wait3A_25] : memref<2x32x80x128xi32, #tpu.memory_space<hbm>> -> memref<1x1x80x128xi32, #tpu.memory_space<hbm>>
      %dma_wait3A_27 = tpu.memref_squeeze %dma_wait3A_26 : memref<1x1x80x128xi32, #tpu.memory_space<hbm>> -> memref<80x128xi32, #tpu.memory_space<hbm>>
      tpu.wait_dma2 semaphore(%run_scoped3A_13 : memref<!tpu.dma_semaphore, #tpu.memory_space<semaphore_mem>>) src(%dma_wait3A_27 : memref<80x128xi32, #tpu.memory_space<hbm>>) dst(%arg5 : memref<80x128xi32, #tpu.memory_space<vmem>>)
      tpu.yield
    }) : () -> ()
    %scan3A_7 = arith.constant 0 : i32
    %scan3A_8 = arith.constant 0 : i32
    %scan3A_9 = arith.constant 40 : i32
    %scan3A_10 = arith.addi %scan3A_8, %scan3A_9 : i32
    %scan3A_11 = arith.constant 1 : i32
    scf.for %scan3A_13 = %scan3A_8 to %scan3A_10 step %scan3A_11  : i32 {
      %mul3A_14 = arith.constant 2 : i32
      %mul3A_15 = arith.muli %mul3A_14, %scan3A_13 : i32
      %dma_start3A = arith.constant 0 : i32
      %dma_start3A_16 = tpu.memref_slice %arg5[%mul3A_15, %dma_start3A] : memref<80x128xi32, #tpu.memory_space<vmem>> -> memref<1x128xi32, #tpu.memory_space<vmem>>
      %dma_start3A_17 = tpu.memref_squeeze %dma_start3A_16 : memref<1x128xi32, #tpu.memory_space<vmem>> -> memref<128xi32, #tpu.memory_space<vmem>>
      %dma_start3A_18 = arith.constant 0 : i32
      %dma_start3A_19 = arith.constant 0 : i32
      %dma_start3A_20 = tpu.memref_slice %arg2[%dma_start3A_18, %dma_start3A_19] : memref<10112x128xf32, #tpu.memory_space<hbm>> -> memref<10112x128xf32, #tpu.memory_space<hbm>>
      tpu.enqueue_indirect_dma source(%dma_start3A_20 : memref<10112x128xf32, #tpu.memory_space<hbm>>) target(%arg6 : memref<128x128xf32, #tpu.memory_space<vmem>>) offsets(%dma_start3A_17 : memref<128xi32, #tpu.memory_space<vmem>>) semaphore(%arg8 : memref<!tpu.dma_semaphore, #tpu.memory_space<semaphore_mem>>)
      %add3A_21 = arith.constant 1 : i32
      %add3A_22 = arith.addi %mul3A_15, %add3A_21 : i32
      %dma_start3A_23 = arith.constant 0 : i32
      %dma_start3A_24 = tpu.memref_slice %arg5[%add3A_22, %dma_start3A_23] : memref<80x128xi32, #tpu.memory_space<vmem>> -> memref<1x128xi32, #tpu.memory_space<vmem>>
      %dma_start3A_25 = tpu.memref_squeeze %dma_start3A_24 : memref<1x128xi32, #tpu.memory_space<vmem>> -> memref<128xi32, #tpu.memory_space<vmem>>
      %dma_start3A_26 = arith.constant 0 : i32
      %dma_start3A_27 = arith.constant 0 : i32
      %dma_start3A_28 = tpu.memref_slice %arg2[%dma_start3A_26, %dma_start3A_27] : memref<10112x128xf32, #tpu.memory_space<hbm>> -> memref<10112x128xf32, #tpu.memory_space<hbm>>
      tpu.enqueue_indirect_dma source(%dma_start3A_28 : memref<10112x128xf32, #tpu.memory_space<hbm>>) target(%arg7 : memref<128x128xf32, #tpu.memory_space<vmem>>) offsets(%dma_start3A_25 : memref<128xi32, #tpu.memory_space<vmem>>) semaphore(%arg8 : memref<!tpu.dma_semaphore, #tpu.memory_space<semaphore_mem>>)
      %dma_wait3A = arith.constant 0 : i32
      %dma_wait3A_29 = tpu.memref_slice %arg5[%mul3A_15, %dma_wait3A] : memref<80x128xi32, #tpu.memory_space<vmem>> -> memref<1x128xi32, #tpu.memory_space<vmem>>
      %dma_wait3A_30 = tpu.memref_squeeze %dma_wait3A_29 : memref<1x128xi32, #tpu.memory_space<vmem>> -> memref<128xi32, #tpu.memory_space<vmem>>
      %dma_wait3A_31 = arith.constant 0 : i32
      %dma_wait3A_32 = arith.constant 0 : i32
      %dma_wait3A_33 = tpu.memref_slice %arg2[%dma_wait3A_31, %dma_wait3A_32] : memref<10112x128xf32, #tpu.memory_space<hbm>> -> memref<10112x128xf32, #tpu.memory_space<hbm>>
      tpu.wait_indirect_dma semaphore(%arg8 : memref<!tpu.dma_semaphore, #tpu.memory_space<semaphore_mem>>) src(%dma_wait3A_33 : memref<10112x128xf32, #tpu.memory_space<hbm>>) dst(%arg6 : memref<128x128xf32, #tpu.memory_space<vmem>>)
      %mul3A_34 = arith.constant 10240 : i32
      %mul3A_35 = arith.muli %add3A, %mul3A_34 : i32
      %mul3A_36 = arith.constant 128 : i32
      %mul3A_37 = arith.muli %mul3A_15, %mul3A_36 : i32
      %add3A_38 = arith.addi %mul3A_35, %mul3A_37 : i32
      %dma_start3A_39 = arith.constant 1 : i32
      %dma_start3A_40 = arith.constant 0 : i32
      %dma_start3A_41 = tpu.memref_slice %arg4[%dma_start3A_39, %add3A_38, %dma_start3A_40] : memref<2x327680x128xf32, #tpu.memory_space<hbm>> -> memref<1x128x128xf32, #tpu.memory_space<hbm>>
      %dma_start3A_42 = tpu.memref_squeeze %dma_start3A_41 : memref<1x128x128xf32, #tpu.memory_space<hbm>> -> memref<128x128xf32, #tpu.memory_space<hbm>>
      %dma_start3A_43 = arith.constant 0 : i32
      %dma_start3A_44 = tpu.memref_slice %arg4[%dma_start3A_39, %add3A_38, %dma_start3A_43] : memref<2x327680x128xf32, #tpu.memory_space<hbm>> -> memref<1x128x128xf32, #tpu.memory_space<hbm>>
      %dma_start3A_45 = tpu.memref_squeeze %dma_start3A_44 : memref<1x128x128xf32, #tpu.memory_space<hbm>> -> memref<128x128xf32, #tpu.memory_space<hbm>>
      tpu.enqueue_dma source(%arg6 : memref<128x128xf32, #tpu.memory_space<vmem>>) target(%dma_start3A_45 : memref<128x128xf32, #tpu.memory_space<hbm>>) target_semaphore(%arg9 : memref<!tpu.dma_semaphore, #tpu.memory_space<semaphore_mem>>)
      %dma_wait3A_46 = arith.constant 0 : i32
      %dma_wait3A_47 = tpu.memref_slice %arg5[%add3A_22, %dma_wait3A_46] : memref<80x128xi32, #tpu.memory_space<vmem>> -> memref<1x128xi32, #tpu.memory_space<vmem>>
      %dma_wait3A_48 = tpu.memref_squeeze %dma_wait3A_47 : memref<1x128xi32, #tpu.memory_space<vmem>> -> memref<128xi32, #tpu.memory_space<vmem>>
      %dma_wait3A_49 = arith.constant 0 : i32
      %dma_wait3A_50 = arith.constant 0 : i32
      %dma_wait3A_51 = tpu.memref_slice %arg2[%dma_wait3A_49, %dma_wait3A_50] : memref<10112x128xf32, #tpu.memory_space<hbm>> -> memref<10112x128xf32, #tpu.memory_space<hbm>>
      tpu.wait_indirect_dma semaphore(%arg8 : memref<!tpu.dma_semaphore, #tpu.memory_space<semaphore_mem>>) src(%dma_wait3A_51 : memref<10112x128xf32, #tpu.memory_space<hbm>>) dst(%arg7 : memref<128x128xf32, #tpu.memory_space<vmem>>)
      %mul3A_52 = arith.constant 10240 : i32
      %mul3A_53 = arith.muli %add3A, %mul3A_52 : i32
      %add3A_54 = arith.constant 1 : i32
      %add3A_55 = arith.addi %mul3A_15, %add3A_54 : i32
      %mul3A_56 = arith.constant 128 : i32
      %mul3A_57 = arith.muli %add3A_55, %mul3A_56 : i32
      %add3A_58 = arith.addi %mul3A_53, %mul3A_57 : i32
      %dma_start3A_59 = arith.constant 1 : i32
      %dma_start3A_60 = arith.constant 0 : i32
      %dma_start3A_61 = tpu.memref_slice %arg4[%dma_start3A_59, %add3A_58, %dma_start3A_60] : memref<2x327680x128xf32, #tpu.memory_space<hbm>> -> memref<1x128x128xf32, #tpu.memory_space<hbm>>
      %dma_start3A_62 = tpu.memref_squeeze %dma_start3A_61 : memref<1x128x128xf32, #tpu.memory_space<hbm>> -> memref<128x128xf32, #tpu.memory_space<hbm>>
      %dma_start3A_63 = arith.constant 0 : i32
      %dma_start3A_64 = tpu.memref_slice %arg4[%dma_start3A_59, %add3A_58, %dma_start3A_63] : memref<2x327680x128xf32, #tpu.memory_space<hbm>> -> memref<1x128x128xf32, #tpu.memory_space<hbm>>
      %dma_start3A_65 = tpu.memref_squeeze %dma_start3A_64 : memref<1x128x128xf32, #tpu.memory_space<hbm>> -> memref<128x128xf32, #tpu.memory_space<hbm>>
      tpu.enqueue_dma source(%arg7 : memref<128x128xf32, #tpu.memory_space<vmem>>) target(%dma_start3A_65 : memref<128x128xf32, #tpu.memory_space<hbm>>) target_semaphore(%arg9 : memref<!tpu.dma_semaphore, #tpu.memory_space<semaphore_mem>>)
      %dma_wait3A_66 = arith.constant 1 : i32
      %dma_wait3A_67 = arith.constant 0 : i32
      %dma_wait3A_68 = tpu.memref_slice %arg4[%dma_wait3A_66, %add3A_38, %dma_wait3A_67] : memref<2x327680x128xf32, #tpu.memory_space<hbm>> -> memref<1x128x128xf32, #tpu.memory_space<hbm>>
      %dma_wait3A_69 = tpu.memref_squeeze %dma_wait3A_68 : memref<1x128x128xf32, #tpu.memory_space<hbm>> -> memref<128x128xf32, #tpu.memory_space<hbm>>
      %dma_wait3A_70 = arith.constant 0 : i32
      %dma_wait3A_71 = tpu.memref_slice %arg4[%dma_wait3A_66, %add3A_38, %dma_wait3A_70] : memref<2x327680x128xf32, #tpu.memory_space<hbm>> -> memref<1x128x128xf32, #tpu.memory_space<hbm>>
      %dma_wait3A_72 = tpu.memref_squeeze %dma_wait3A_71 : memref<1x128x128xf32, #tpu.memory_space<hbm>> -> memref<128x128xf32, #tpu.memory_space<hbm>>
      tpu.wait_dma2 semaphore(%arg9 : memref<!tpu.dma_semaphore, #tpu.memory_space<semaphore_mem>>) src(%arg6 : memref<128x128xf32, #tpu.memory_space<vmem>>) dst(%dma_wait3A_72 : memref<128x128xf32, #tpu.memory_space<hbm>>)
      %dma_wait3A_73 = arith.constant 1 : i32
      %dma_wait3A_74 = arith.constant 0 : i32
      %dma_wait3A_75 = tpu.memref_slice %arg4[%dma_wait3A_73, %add3A_58, %dma_wait3A_74] : memref<2x327680x128xf32, #tpu.memory_space<hbm>> -> memref<1x128x128xf32, #tpu.memory_space<hbm>>
      %dma_wait3A_76 = tpu.memref_squeeze %dma_wait3A_75 : memref<1x128x128xf32, #tpu.memory_space<hbm>> -> memref<128x128xf32, #tpu.memory_space<hbm>>
      %dma_wait3A_77 = arith.constant 0 : i32
      %dma_wait3A_78 = tpu.memref_slice %arg4[%dma_wait3A_73, %add3A_58, %dma_wait3A_77] : memref<2x327680x128xf32, #tpu.memory_space<hbm>> -> memref<1x128x128xf32, #tpu.memory_space<hbm>>
      %dma_wait3A_79 = tpu.memref_squeeze %dma_wait3A_78 : memref<1x128x128xf32, #tpu.memory_space<hbm>> -> memref<128x128xf32, #tpu.memory_space<hbm>>
      tpu.wait_dma2 semaphore(%arg9 : memref<!tpu.dma_semaphore, #tpu.memory_space<semaphore_mem>>) src(%arg7 : memref<128x128xf32, #tpu.memory_space<vmem>>) dst(%dma_wait3A_79 : memref<128x128xf32, #tpu.memory_space<hbm>>)
    }
    %scan3A_12 = arith.constant 40 : i32
    return
  }
}

module attributes {stable_mosaic.version = 14 : i64} {
  func.func @_mlp_block(%arg0: i32, %arg1: memref<2x1280x128xf32, #tpu.memory_space<vmem>>, %arg2: memref<1280x128xf32, #tpu.memory_space<vmem>>, %arg3: memref<1x128xf32, #tpu.memory_space<vmem>>, %arg4: memref<1x128xf32, #tpu.memory_space<vmem>>, %arg5: memref<2x128x256xf32, #tpu.memory_space<vmem>>, %arg6: memref<2x128x256xf32, #tpu.memory_space<vmem>>, %arg7: memref<2x128x256xf32, #tpu.memory_space<vmem>>, %arg8: memref<2x128x256xf32, #tpu.memory_space<vmem>>, %arg9: memref<2x1x256xf32, #tpu.memory_space<vmem>>, %arg10: memref<2x256x256xf32, #tpu.memory_space<vmem>>, %arg11: memref<2x1x256xf32, #tpu.memory_space<vmem>>, %arg12: memref<2x256x128xf32, #tpu.memory_space<vmem>>, %arg13: memref<2x1x128xf32, #tpu.memory_space<vmem>>, %arg14: memref<2x1280x128xf32, #tpu.memory_space<vmem>>) attributes {dimension_semantics = [#tpu.dimension_semantics<arbitrary>], iteration_bounds = array<i64: 250>, scalar_prefetch = 0 : i64, scratch_operands = 0 : i64, tpu.core_type = #tpu.core_type<tc>, window_params = [{transform_indices = @transform_0, window_bounds = array<i64: 2, 1280, 128>}, {transform_indices = @transform_1, window_bounds = array<i64: 1280, 128>}, {pipeline_mode = #tpu.pipeline_mode<synchronous>, transform_indices = @transform_2, window_bounds = array<i64: 1, 128>}, {pipeline_mode = #tpu.pipeline_mode<synchronous>, transform_indices = @transform_3, window_bounds = array<i64: 1, 128>}, {pipeline_mode = #tpu.pipeline_mode<synchronous>, transform_indices = @transform_4, window_bounds = array<i64: 2, 128, 256>}, {pipeline_mode = #tpu.pipeline_mode<synchronous>, transform_indices = @transform_5, window_bounds = array<i64: 2, 128, 256>}, {pipeline_mode = #tpu.pipeline_mode<synchronous>, transform_indices = @transform_6, window_bounds = array<i64: 2, 128, 256>}, {pipeline_mode = #tpu.pipeline_mode<synchronous>, transform_indices = @transform_7, window_bounds = array<i64: 2, 128, 256>}, {pipeline_mode = #tpu.pipeline_mode<synchronous>, transform_indices = @transform_8, window_bounds = array<i64: 2, 1, 256>}, {pipeline_mode = #tpu.pipeline_mode<synchronous>, transform_indices = @transform_9, window_bounds = array<i64: 2, 256, 256>}, {pipeline_mode = #tpu.pipeline_mode<synchronous>, transform_indices = @transform_10, window_bounds = array<i64: 2, 1, 256>}, {pipeline_mode = #tpu.pipeline_mode<synchronous>, transform_indices = @transform_11, window_bounds = array<i64: 2, 256, 128>}, {pipeline_mode = #tpu.pipeline_mode<synchronous>, transform_indices = @transform_12, window_bounds = array<i64: 2, 1, 128>}, {transform_indices = @transform_13, window_bounds = array<i64: 2, 1280, 128>}]} {
    %get3A = arith.constant 0 : index
    %get3A_0 = arith.constant 0 : index
    %get3A_1 = vector.load %arg2[%get3A, %get3A_0] : memref<1280x128xf32, #tpu.memory_space<vmem>>, vector<1280x128xf32>
    %get3A_2 = arith.constant 0 : index
    %get3A_3 = arith.constant 0 : index
    %get3A_4 = vector.load %arg3[%get3A_2, %get3A_3] : memref<1x128xf32, #tpu.memory_space<vmem>>, vector<1x128xf32>
    %get3A_5 = arith.constant 0 : index
    %get3A_6 = arith.constant 0 : index
    %get3A_7 = arith.constant 0 : index
    %get3A_8 = vector.load %arg7[%get3A_5, %get3A_6, %get3A_7] : memref<2x128x256xf32, #tpu.memory_space<vmem>>, vector<1x128x256xf32>
    %get3A_9 = vector.shape_cast %get3A_8 : vector<1x128x256xf32> to vector<128x256xf32>
    %dot_general3A = arith.constant dense<0.000000e+00> : vector<1x256xf32>
    %dot_general3A_10 = tpu.matmul %get3A_4, %get3A_9, %dot_general3A {dimension_numbers = #tpu.dot_dimension_numbers<[1], [0], [0], [1], [0, 0, 1, 1], [], []>, transpose_lhs_hint = false} : vector<1x128xf32>, vector<128x256xf32>, vector<1x256xf32> -> vector<1x256xf32>
    %get3A_11 = arith.constant 0 : index
    %get3A_12 = arith.constant 0 : index
    %get3A_13 = vector.load %arg4[%get3A_11, %get3A_12] : memref<1x128xf32, #tpu.memory_space<vmem>>, vector<1x128xf32>
    %get3A_14 = arith.constant 0 : index
    %get3A_15 = arith.constant 0 : index
    %get3A_16 = arith.constant 0 : index
    %get3A_17 = vector.load %arg8[%get3A_14, %get3A_15, %get3A_16] : memref<2x128x256xf32, #tpu.memory_space<vmem>>, vector<1x128x256xf32>
    %get3A_18 = vector.shape_cast %get3A_17 : vector<1x128x256xf32> to vector<128x256xf32>
    %dot_general3A_19 = arith.constant dense<0.000000e+00> : vector<1x256xf32>
    %dot_general3A_20 = tpu.matmul %get3A_13, %get3A_18, %dot_general3A_19 {dimension_numbers = #tpu.dot_dimension_numbers<[1], [0], [0], [1], [0, 0, 1, 1], [], []>, transpose_lhs_hint = false} : vector<1x128xf32>, vector<128x256xf32>, vector<1x256xf32> -> vector<1x256xf32>
    %add3A = arith.addf %dot_general3A_10, %dot_general3A_20 : vector<1x256xf32>
    %get3A_21 = arith.constant 0 : index
    %get3A_22 = arith.constant 0 : index
    %get3A_23 = arith.constant 0 : index
    %get3A_24 = vector.load %arg9[%get3A_21, %get3A_22, %get3A_23] : memref<2x1x256xf32, #tpu.memory_space<vmem>>, vector<1x1x256xf32>
    %get3A_25 = vector.shape_cast %get3A_24 : vector<1x1x256xf32> to vector<1x256xf32>
    %add3A_26 = arith.addf %add3A, %get3A_25 : vector<1x256xf32>
    %get3A_27 = arith.constant 0 : index
    %get3A_28 = arith.constant 0 : index
    %get3A_29 = arith.constant 0 : index
    %get3A_30 = vector.load %arg1[%get3A_27, %get3A_28, %get3A_29] : memref<2x1280x128xf32, #tpu.memory_space<vmem>>, vector<1x1280x128xf32>
    %get3A_31 = vector.shape_cast %get3A_30 : vector<1x1280x128xf32> to vector<1280x128xf32>
    %get3A_32 = arith.constant 0 : index
    %get3A_33 = arith.constant 0 : index
    %get3A_34 = arith.constant 0 : index
    %get3A_35 = vector.load %arg5[%get3A_32, %get3A_33, %get3A_34] : memref<2x128x256xf32, #tpu.memory_space<vmem>>, vector<1x128x256xf32>
    %get3A_36 = vector.shape_cast %get3A_35 : vector<1x128x256xf32> to vector<128x256xf32>
    %dot_general3A_37 = arith.constant dense<0.000000e+00> : vector<1280x256xf32>
    %dot_general3A_38 = tpu.matmul %get3A_31, %get3A_36, %dot_general3A_37 {dimension_numbers = #tpu.dot_dimension_numbers<[1], [0], [0], [1], [0, 0, 1, 1], [], []>, transpose_lhs_hint = false} : vector<1280x128xf32>, vector<128x256xf32>, vector<1280x256xf32> -> vector<1280x256xf32>
    %get3A_39 = arith.constant 0 : index
    %get3A_40 = arith.constant 0 : index
    %get3A_41 = arith.constant 0 : index
    %get3A_42 = vector.load %arg6[%get3A_39, %get3A_40, %get3A_41] : memref<2x128x256xf32, #tpu.memory_space<vmem>>, vector<1x128x256xf32>
    %get3A_43 = vector.shape_cast %get3A_42 : vector<1x128x256xf32> to vector<128x256xf32>
    %dot_general3A_44 = arith.constant dense<0.000000e+00> : vector<1280x256xf32>
    %dot_general3A_45 = tpu.matmul %get3A_1, %get3A_43, %dot_general3A_44 {dimension_numbers = #tpu.dot_dimension_numbers<[1], [0], [0], [1], [0, 0, 1, 1], [], []>, transpose_lhs_hint = false} : vector<1280x128xf32>, vector<128x256xf32>, vector<1280x256xf32> -> vector<1280x256xf32>
    %add3A_46 = arith.addf %dot_general3A_38, %dot_general3A_45 : vector<1280x256xf32>
    %add3A_47 = vector.broadcast %add3A_26 : vector<1x256xf32> to vector<1280x256xf32>
    %add3A_48 = arith.addf %add3A_46, %add3A_47 : vector<1280x256xf32>
    %tanh3A = math.tanh %add3A_48 : vector<1280x256xf32>
    %get3A_49 = arith.constant 0 : index
    %get3A_50 = arith.constant 0 : index
    %get3A_51 = arith.constant 0 : index
    %get3A_52 = vector.load %arg10[%get3A_49, %get3A_50, %get3A_51] : memref<2x256x256xf32, #tpu.memory_space<vmem>>, vector<1x256x256xf32>
    %get3A_53 = vector.shape_cast %get3A_52 : vector<1x256x256xf32> to vector<256x256xf32>
    %dot_general3A_54 = arith.constant dense<0.000000e+00> : vector<1280x256xf32>
    %dot_general3A_55 = tpu.matmul %tanh3A, %get3A_53, %dot_general3A_54 {dimension_numbers = #tpu.dot_dimension_numbers<[1], [0], [0], [1], [0, 0, 1, 1], [], []>, transpose_lhs_hint = false} : vector<1280x256xf32>, vector<256x256xf32>, vector<1280x256xf32> -> vector<1280x256xf32>
    %get3A_56 = arith.constant 0 : index
    %get3A_57 = arith.constant 0 : index
    %get3A_58 = arith.constant 0 : index
    %get3A_59 = vector.load %arg11[%get3A_56, %get3A_57, %get3A_58] : memref<2x1x256xf32, #tpu.memory_space<vmem>>, vector<1x1x256xf32>
    %get3A_60 = vector.shape_cast %get3A_59 : vector<1x1x256xf32> to vector<1x256xf32>
    %add3A_61 = vector.broadcast %get3A_60 : vector<1x256xf32> to vector<1280x256xf32>
    %add3A_62 = arith.addf %dot_general3A_55, %add3A_61 : vector<1280x256xf32>
    %tanh3A_63 = math.tanh %add3A_62 : vector<1280x256xf32>
    %get3A_64 = arith.constant 0 : index
    %get3A_65 = arith.constant 0 : index
    %get3A_66 = arith.constant 0 : index
    %get3A_67 = vector.load %arg12[%get3A_64, %get3A_65, %get3A_66] : memref<2x256x128xf32, #tpu.memory_space<vmem>>, vector<1x256x128xf32>
    %get3A_68 = vector.shape_cast %get3A_67 : vector<1x256x128xf32> to vector<256x128xf32>
    %dot_general3A_69 = arith.constant dense<0.000000e+00> : vector<1280x128xf32>
    %dot_general3A_70 = tpu.matmul %tanh3A_63, %get3A_68, %dot_general3A_69 {dimension_numbers = #tpu.dot_dimension_numbers<[1], [0], [0], [1], [0, 0, 1, 1], [], []>, transpose_lhs_hint = false} : vector<1280x256xf32>, vector<256x128xf32>, vector<1280x128xf32> -> vector<1280x128xf32>
    %get3A_71 = arith.constant 0 : index
    %get3A_72 = arith.constant 0 : index
    %get3A_73 = arith.constant 0 : index
    %get3A_74 = vector.load %arg13[%get3A_71, %get3A_72, %get3A_73] : memref<2x1x128xf32, #tpu.memory_space<vmem>>, vector<1x1x128xf32>
    %get3A_75 = vector.shape_cast %get3A_74 : vector<1x1x128xf32> to vector<1x128xf32>
    %add3A_76 = vector.broadcast %get3A_75 : vector<1x128xf32> to vector<1280x128xf32>
    %add3A_77 = arith.addf %dot_general3A_70, %add3A_76 : vector<1280x128xf32>
    %tanh3A_78 = math.tanh %add3A_77 : vector<1280x128xf32>
    %swap3A = arith.constant 0 : index
    %swap3A_79 = arith.constant 0 : index
    %swap3A_80 = arith.constant 0 : index
    %swap3A_81 = vector.load %arg14[%swap3A, %swap3A_79, %swap3A_80] : memref<2x1280x128xf32, #tpu.memory_space<vmem>>, vector<1x1280x128xf32>
    %swap3A_82 = vector.shape_cast %swap3A_81 : vector<1x1280x128xf32> to vector<1280x128xf32>
    %swap3A_83 = vector.shape_cast %tanh3A_78 : vector<1280x128xf32> to vector<1x1280x128xf32>
    tpu.vector_store %arg14[%swap3A, %swap3A_79, %swap3A_80], %swap3A_83 {strides = array<i32>} : memref<2x1280x128xf32, #tpu.memory_space<vmem>>, vector<1x1280x128xf32>,
    %get3A_84 = arith.constant 0 : index
    %get3A_85 = arith.constant 0 : index
    %get3A_86 = vector.load %arg3[%get3A_84, %get3A_85] : memref<1x128xf32, #tpu.memory_space<vmem>>, vector<1x128xf32>
    %get3A_87 = arith.constant 1 : index
    %get3A_88 = arith.constant 0 : index
    %get3A_89 = arith.constant 0 : index
    %get3A_90 = vector.load %arg7[%get3A_87, %get3A_88, %get3A_89] : memref<2x128x256xf32, #tpu.memory_space<vmem>>, vector<1x128x256xf32>
    %get3A_91 = vector.shape_cast %get3A_90 : vector<1x128x256xf32> to vector<128x256xf32>
    %dot_general3A_92 = arith.constant dense<0.000000e+00> : vector<1x256xf32>
    %dot_general3A_93 = tpu.matmul %get3A_86, %get3A_91, %dot_general3A_92 {dimension_numbers = #tpu.dot_dimension_numbers<[1], [0], [0], [1], [0, 0, 1, 1], [], []>, transpose_lhs_hint = false} : vector<1x128xf32>, vector<128x256xf32>, vector<1x256xf32> -> vector<1x256xf32>
    %get3A_94 = arith.constant 0 : index
    %get3A_95 = arith.constant 0 : index
    %get3A_96 = vector.load %arg4[%get3A_94, %get3A_95] : memref<1x128xf32, #tpu.memory_space<vmem>>, vector<1x128xf32>
    %get3A_97 = arith.constant 1 : index
    %get3A_98 = arith.constant 0 : index
    %get3A_99 = arith.constant 0 : index
    %get3A_100 = vector.load %arg8[%get3A_97, %get3A_98, %get3A_99] : memref<2x128x256xf32, #tpu.memory_space<vmem>>, vector<1x128x256xf32>
    %get3A_101 = vector.shape_cast %get3A_100 : vector<1x128x256xf32> to vector<128x256xf32>
    %dot_general3A_102 = arith.constant dense<0.000000e+00> : vector<1x256xf32>
    %dot_general3A_103 = tpu.matmul %get3A_96, %get3A_101, %dot_general3A_102 {dimension_numbers = #tpu.dot_dimension_numbers<[1], [0], [0], [1], [0, 0, 1, 1], [], []>, transpose_lhs_hint = false} : vector<1x128xf32>, vector<128x256xf32>, vector<1x256xf32> -> vector<1x256xf32>
    %add3A_104 = arith.addf %dot_general3A_93, %dot_general3A_103 : vector<1x256xf32>
    %get3A_105 = arith.constant 1 : index
    %get3A_106 = arith.constant 0 : index
    %get3A_107 = arith.constant 0 : index
    %get3A_108 = vector.load %arg9[%get3A_105, %get3A_106, %get3A_107] : memref<2x1x256xf32, #tpu.memory_space<vmem>>, vector<1x1x256xf32>
    %get3A_109 = vector.shape_cast %get3A_108 : vector<1x1x256xf32> to vector<1x256xf32>
    %add3A_110 = arith.addf %add3A_104, %get3A_109 : vector<1x256xf32>
    %get3A_111 = arith.constant 1 : index
    %get3A_112 = arith.constant 0 : index
    %get3A_113 = arith.constant 0 : index
    %get3A_114 = vector.load %arg1[%get3A_111, %get3A_112, %get3A_113] : memref<2x1280x128xf32, #tpu.memory_space<vmem>>, vector<1x1280x128xf32>
    %get3A_115 = vector.shape_cast %get3A_114 : vector<1x1280x128xf32> to vector<1280x128xf32>
    %get3A_116 = arith.constant 1 : index
    %get3A_117 = arith.constant 0 : index
    %get3A_118 = arith.constant 0 : index
    %get3A_119 = vector.load %arg5[%get3A_116, %get3A_117, %get3A_118] : memref<2x128x256xf32, #tpu.memory_space<vmem>>, vector<1x128x256xf32>
    %get3A_120 = vector.shape_cast %get3A_119 : vector<1x128x256xf32> to vector<128x256xf32>
    %dot_general3A_121 = arith.constant dense<0.000000e+00> : vector<1280x256xf32>
    %dot_general3A_122 = tpu.matmul %get3A_115, %get3A_120, %dot_general3A_121 {dimension_numbers = #tpu.dot_dimension_numbers<[1], [0], [0], [1], [0, 0, 1, 1], [], []>, transpose_lhs_hint = false} : vector<1280x128xf32>, vector<128x256xf32>, vector<1280x256xf32> -> vector<1280x256xf32>
    %get3A_123 = arith.constant 1 : index
    %get3A_124 = arith.constant 0 : index
    %get3A_125 = arith.constant 0 : index
    %get3A_126 = vector.load %arg6[%get3A_123, %get3A_124, %get3A_125] : memref<2x128x256xf32, #tpu.memory_space<vmem>>, vector<1x128x256xf32>
    %get3A_127 = vector.shape_cast %get3A_126 : vector<1x128x256xf32> to vector<128x256xf32>
    %dot_general3A_128 = arith.constant dense<0.000000e+00> : vector<1280x256xf32>
    %dot_general3A_129 = tpu.matmul %get3A_1, %get3A_127, %dot_general3A_128 {dimension_numbers = #tpu.dot_dimension_numbers<[1], [0], [0], [1], [0, 0, 1, 1], [], []>, transpose_lhs_hint = false} : vector<1280x128xf32>, vector<128x256xf32>, vector<1280x256xf32> -> vector<1280x256xf32>
    %add3A_130 = arith.addf %dot_general3A_122, %dot_general3A_129 : vector<1280x256xf32>
    %add3A_131 = vector.broadcast %add3A_110 : vector<1x256xf32> to vector<1280x256xf32>
    %add3A_132 = arith.addf %add3A_130, %add3A_131 : vector<1280x256xf32>
    %tanh3A_133 = math.tanh %add3A_132 : vector<1280x256xf32>
    %get3A_134 = arith.constant 1 : index
    %get3A_135 = arith.constant 0 : index
    %get3A_136 = arith.constant 0 : index
    %get3A_137 = vector.load %arg10[%get3A_134, %get3A_135, %get3A_136] : memref<2x256x256xf32, #tpu.memory_space<vmem>>, vector<1x256x256xf32>
    %get3A_138 = vector.shape_cast %get3A_137 : vector<1x256x256xf32> to vector<256x256xf32>
    %dot_general3A_139 = arith.constant dense<0.000000e+00> : vector<1280x256xf32>
    %dot_general3A_140 = tpu.matmul %tanh3A_133, %get3A_138, %dot_general3A_139 {dimension_numbers = #tpu.dot_dimension_numbers<[1], [0], [0], [1], [0, 0, 1, 1], [], []>, transpose_lhs_hint = false} : vector<1280x256xf32>, vector<256x256xf32>, vector<1280x256xf32> -> vector<1280x256xf32>
    %get3A_141 = arith.constant 1 : index
    %get3A_142 = arith.constant 0 : index
    %get3A_143 = arith.constant 0 : index
    %get3A_144 = vector.load %arg11[%get3A_141, %get3A_142, %get3A_143] : memref<2x1x256xf32, #tpu.memory_space<vmem>>, vector<1x1x256xf32>
    %get3A_145 = vector.shape_cast %get3A_144 : vector<1x1x256xf32> to vector<1x256xf32>
    %add3A_146 = vector.broadcast %get3A_145 : vector<1x256xf32> to vector<1280x256xf32>
    %add3A_147 = arith.addf %dot_general3A_140, %add3A_146 : vector<1280x256xf32>
    %tanh3A_148 = math.tanh %add3A_147 : vector<1280x256xf32>
    %get3A_149 = arith.constant 1 : index
    %get3A_150 = arith.constant 0 : index
    %get3A_151 = arith.constant 0 : index
    %get3A_152 = vector.load %arg12[%get3A_149, %get3A_150, %get3A_151] : memref<2x256x128xf32, #tpu.memory_space<vmem>>, vector<1x256x128xf32>
    %get3A_153 = vector.shape_cast %get3A_152 : vector<1x256x128xf32> to vector<256x128xf32>
    %dot_general3A_154 = arith.constant dense<0.000000e+00> : vector<1280x128xf32>
    %dot_general3A_155 = tpu.matmul %tanh3A_148, %get3A_153, %dot_general3A_154 {dimension_numbers = #tpu.dot_dimension_numbers<[1], [0], [0], [1], [0, 0, 1, 1], [], []>, transpose_lhs_hint = false} : vector<1280x256xf32>, vector<256x128xf32>, vector<1280x128xf32> -> vector<1280x128xf32>
    %get3A_156 = arith.constant 1 : index
    %get3A_157 = arith.constant 0 : index
    %get3A_158 = arith.constant 0 : index
    %get3A_159 = vector.load %arg13[%get3A_156, %get3A_157, %get3A_158] : memref<2x1x128xf32, #tpu.memory_space<vmem>>, vector<1x1x128xf32>
    %get3A_160 = vector.shape_cast %get3A_159 : vector<1x1x128xf32> to vector<1x128xf32>
    %add3A_161 = vector.broadcast %get3A_160 : vector<1x128xf32> to vector<1280x128xf32>
    %add3A_162 = arith.addf %dot_general3A_155, %add3A_161 : vector<1280x128xf32>
    %tanh3A_163 = math.tanh %add3A_162 : vector<1280x128xf32>
    %swap3A_164 = arith.constant 1 : index
    %swap3A_165 = arith.constant 0 : index
    %swap3A_166 = arith.constant 0 : index
    %swap3A_167 = vector.load %arg14[%swap3A_164, %swap3A_165, %swap3A_166] : memref<2x1280x128xf32, #tpu.memory_space<vmem>>, vector<1x1280x128xf32>
    %swap3A_168 = vector.shape_cast %swap3A_167 : vector<1x1280x128xf32> to vector<1280x128xf32>
    %swap3A_169 = vector.shape_cast %tanh3A_163 : vector<1280x128xf32> to vector<1x1280x128xf32>
    tpu.vector_store %arg14[%swap3A_164, %swap3A_165, %swap3A_166], %swap3A_169 {strides = array<i32>} : memref<2x1280x128xf32, #tpu.memory_space<vmem>>, vector<1x1280x128xf32>,
    return
  }
  func.func @transform_0(%arg0: i32) -> (i32, i32, i32) {
    %c0_i32 = arith.constant 0 : i32
    %c0_i32_0 = arith.constant 0 : i32
    %c0_i32_1 = arith.constant 0 : i32
    return %c0_i32, %arg0, %c0_i32_0 : i32, i32, i32
  }
  func.func @transform_1(%arg0: i32) -> (i32, i32) {
    %c0_i32 = arith.constant 0 : i32
    %c0_i32_0 = arith.constant 0 : i32
    return %arg0, %c0_i32 : i32, i32
  }
  func.func @transform_2(%arg0: i32) -> (i32, i32) {
    %c0_i32 = arith.constant 0 : i32
    %c0_i32_0 = arith.constant 0 : i32
    %c0_i32_1 = arith.constant 0 : i32
    return %c0_i32, %c0_i32_0 : i32, i32
  }
  func.func @transform_3(%arg0: i32) -> (i32, i32) {
    %c0_i32 = arith.constant 0 : i32
    %c0_i32_0 = arith.constant 0 : i32
    %c0_i32_1 = arith.constant 0 : i32
    return %c0_i32, %c0_i32_0 : i32, i32
  }
  func.func @transform_4(%arg0: i32) -> (i32, i32, i32) {
    %c0_i32 = arith.constant 0 : i32
    %c0_i32_0 = arith.constant 0 : i32
    %c0_i32_1 = arith.constant 0 : i32
    %c0_i32_2 = arith.constant 0 : i32
    return %c0_i32, %c0_i32_0, %c0_i32_1 : i32, i32, i32
  }
  func.func @transform_5(%arg0: i32) -> (i32, i32, i32) {
    %c0_i32 = arith.constant 0 : i32
    %c0_i32_0 = arith.constant 0 : i32
    %c0_i32_1 = arith.constant 0 : i32
    %c0_i32_2 = arith.constant 0 : i32
    return %c0_i32, %c0_i32_0, %c0_i32_1 : i32, i32, i32
  }
  func.func @transform_6(%arg0: i32) -> (i32, i32, i32) {
    %c0_i32 = arith.constant 0 : i32
    %c0_i32_0 = arith.constant 0 : i32
    %c0_i32_1 = arith.constant 0 : i32
    %c0_i32_2 = arith.constant 0 : i32
    return %c0_i32, %c0_i32_0, %c0_i32_1 : i32, i32, i32
  }
  func.func @transform_7(%arg0: i32) -> (i32, i32, i32) {
    %c0_i32 = arith.constant 0 : i32
    %c0_i32_0 = arith.constant 0 : i32
    %c0_i32_1 = arith.constant 0 : i32
    %c0_i32_2 = arith.constant 0 : i32
    return %c0_i32, %c0_i32_0, %c0_i32_1 : i32, i32, i32
  }
  func.func @transform_8(%arg0: i32) -> (i32, i32, i32) {
    %c0_i32 = arith.constant 0 : i32
    %c0_i32_0 = arith.constant 0 : i32
    %c0_i32_1 = arith.constant 0 : i32
    %c0_i32_2 = arith.constant 0 : i32
    return %c0_i32, %c0_i32_0, %c0_i32_1 : i32, i32, i32
  }
  func.func @transform_9(%arg0: i32) -> (i32, i32, i32) {
    %c0_i32 = arith.constant 0 : i32
    %c0_i32_0 = arith.constant 0 : i32
    %c0_i32_1 = arith.constant 0 : i32
    %c0_i32_2 = arith.constant 0 : i32
    return %c0_i32, %c0_i32_0, %c0_i32_1 : i32, i32, i32
  }
  func.func @transform_10(%arg0: i32) -> (i32, i32, i32) {
    %c0_i32 = arith.constant 0 : i32
    %c0_i32_0 = arith.constant 0 : i32
    %c0_i32_1 = arith.constant 0 : i32
    %c0_i32_2 = arith.constant 0 : i32
    return %c0_i32, %c0_i32_0, %c0_i32_1 : i32, i32, i32
  }
  func.func @transform_11(%arg0: i32) -> (i32, i32, i32) {
    %c0_i32 = arith.constant 0 : i32
    %c0_i32_0 = arith.constant 0 : i32
    %c0_i32_1 = arith.constant 0 : i32
    %c0_i32_2 = arith.constant 0 : i32
    return %c0_i32, %c0_i32_0, %c0_i32_1 : i32, i32, i32
  }
  func.func @transform_12(%arg0: i32) -> (i32, i32, i32) {
    %c0_i32 = arith.constant 0 : i32
    %c0_i32_0 = arith.constant 0 : i32
    %c0_i32_1 = arith.constant 0 : i32
    %c0_i32_2 = arith.constant 0 : i32
    return %c0_i32, %c0_i32_0, %c0_i32_1 : i32, i32, i32
  }
  func.func @transform_13(%arg0: i32) -> (i32, i32, i32) {
    %c0_i32 = arith.constant 0 : i32
    %c0_i32_0 = arith.constant 0 : i32
    %c0_i32_1 = arith.constant 0 : i32
    return %c0_i32, %arg0, %c0_i32_0 : i32, i32, i32
  }
}

module attributes {stable_mosaic.version = 14 : i64} {
  func.func @_final_block(%arg0: i32, %arg1: memref<2x1000x128xf32, #tpu.memory_space<vmem>>, %arg2: memref<1000x128xf32, #tpu.memory_space<vmem>>) attributes {dimension_semantics = [#tpu.dimension_semantics<arbitrary>], iteration_bounds = array<i64: 10>, scalar_prefetch = 0 : i64, scratch_operands = 0 : i64, tpu.core_type = #tpu.core_type<tc>, window_params = [{transform_indices = @transform_0, window_bounds = array<i64: 2, 1000, 128>}, {transform_indices = @transform_1, window_bounds = array<i64: 1000, 128>}]} {
    %get3A = arith.constant 0 : index
    %get3A_0 = arith.constant 0 : index
    %get3A_1 = arith.constant 0 : index
    %get3A_2 = vector.load %arg1[%get3A, %get3A_0, %get3A_1] : memref<2x1000x128xf32, #tpu.memory_space<vmem>>, vector<1x1000x128xf32>
    %get3A_3 = vector.shape_cast %get3A_2 : vector<1x1000x128xf32> to vector<1000x128xf32>
    %get3A_4 = arith.constant 1 : index
    %get3A_5 = arith.constant 0 : index
    %get3A_6 = arith.constant 0 : index
    %get3A_7 = vector.load %arg1[%get3A_4, %get3A_5, %get3A_6] : memref<2x1000x128xf32, #tpu.memory_space<vmem>>, vector<1x1000x128xf32>
    %get3A_8 = vector.shape_cast %get3A_7 : vector<1x1000x128xf32> to vector<1000x128xf32>
    %add3A = arith.addf %get3A_3, %get3A_8 : vector<1000x128xf32>
    %tanh3A = math.tanh %add3A : vector<1000x128xf32>
    %swap3A = arith.constant 0 : index
    %swap3A_9 = arith.constant 0 : index
    %swap3A_10 = vector.load %arg2[%swap3A, %swap3A_9] : memref<1000x128xf32, #tpu.memory_space<vmem>>, vector<1000x128xf32>
    tpu.vector_store %arg2[%swap3A, %swap3A_9], %tanh3A {strides = array<i32>} : memref<1000x128xf32, #tpu.memory_space<vmem>>, vector<1000x128xf32>,
    return
  }
  func.func @transform_0(%arg0: i32) -> (i32, i32, i32) {
    %c0_i32 = arith.constant 0 : i32
    %c0_i32_0 = arith.constant 0 : i32
    %c0_i32_1 = arith.constant 0 : i32
    return %c0_i32, %arg0, %c0_i32_0 : i32, i32, i32
  }
  func.func @transform_1(%arg0: i32) -> (i32, i32) {
    %c0_i32 = arith.constant 0 : i32
    %c0_i32_0 = arith.constant 0 : i32
    return %arg0, %c0_i32 : i32, i32
  }
}

</mosaic_0001>

<sc_bundles>
// kernel: kernel.6.cloned.1.call-start
scs
__scs_entry_jumppad:
0x0: {  	(pc) =	sbr.rel $0x88, $3  }
0x1: {  	(tag) =	ssettag $0x0;
	lr =	simm.s32 $0x1  }
0x2: {  	[smem:$0x3F8E] =	sst lr;
	_ =	strace $0xD0000000  }
0x3: {  	_ = 	snop  }
0x4: {  	_ = 	snop  }
0x5: {  	_ = 	snop  }
0x6: {  	_ = 	snop  }
0x7: {  	_ = 	snop  }
__scs_overlays_trampoline_lowered:
0x8: {  	[smem:$0x3F9D] =	sst s0  }
0x9: {  	[smem:$0x3F9E] =	sst s1  }
0xa: {  	[smem:$0x3F9F] =	sst s2  }
0xb: {  	[smem:$0x3FA0] =	sst s3  }
0xc: {  	[smem:$0x3FA1] =	sst s4  }
0xd: {  	[smem:$0x3FA2] =	sst s5  }
0xe: {  	[smem:$0x3FA3] =	sst s6  }
0xf: {  	[smem:$0x3FA4] =	sst s7  }
0x10: {  	[smem:$0x3FA5] =	sst s8  }
0x11: {  	[smem:$0x3FA6] =	sst s9;
	s0 =	simm.s32 @!p0 $0x0  }
0x12: {  	s1 =	sld [smem:$0x3F8C];
	s0 =	simm.s32 @p0 $0x1  }
0x13: {  	[smem:$0x3FA7] =	sst s0;
	s0 =	simm.s32 @!p1 $0x0  }
0x14: {  	s2 =	sld [smem:$0x3F8B];
	s0 =	simm.s32 @p1 $0x1  }
0x15: {  	[smem:$0x3FA8] =	sst s0;
	s0 =	simm.s32 @!p2 $0x0  }
0x16: {  	s3 =	sld [smem:$0x3FDB];
	s0 =	simm.s32 @p2 $0x1  }
0x17: {  	s4 =	simm.s32 $0x1BF5;
	[smem:$0x3FAA] =	sst s0  }
0x18: {  	s0 =	sld [smem:$0x3F8D];
	_ =	swait.ge [sflag:s4], $0x0  }
0x19: {  	s7 =	sld [smem:$0x3F8E]  }
0x1a: {  	s8 =	sadd.s32 $0xFFFFE003, lr  }
0x1b: {  	s9 =	sadd.s32 $0xFFFFFEF7, lr;
	s5 =	simm.s32 $0xFFFFFFFF;
	p2 =	slt.u32 s8, $0xFFFFF086  }
0x1c: {  	p1 =	slt.u32 s9, $0xF7A;
	s5 =	simm.s32 @!p2 $0x0  }
0x1d: {  	s5 =	simm.s32 @p1 $0x1;
	p0 =	seq.s32 s7, s2  }
0x1e: {  	s7 =	smul.u32 @!p0 $0xF7A, s2;
	p2 =	seq.s32 @!p0 s5, $0x0  }
0x1f: {  	s9 =	smul.u32 $0xF7A, s1;
	s8 =	simm.s32 @!p0 $0x1BF5;
	p2 =	por !p2, p0  }
0x20: {  	[sflag:s8] =	ssyncset.s32 @!p0 $0xFFFFF086;
	s6 =	sadd.s32 @!p0 s3, s7;
	s7 =	simm.s32 @!p0 $0x108  }
0x21: {  	s3 =	sadd.s32 s3, s9;
	s6 =	sadd.s32 @!p0 $0x88, s6;
	s7 =	simm.s32 @p2 $0x1082  }
0x22: {  	[simem:s7], [sflag:s8] =	dma.local @!p0 [hbm:s6], $0xF7A  }
0x23: {  	s9 =	sor.u32 $0xD0000000, s2;
	s6 =	simm.s32 $0x108;
	_ =	swait.ge @!p0 [sflag:s8], $0x0  }
0x24: {  	s3 =	sadd.s32 $0x88, s3;
	s6 =	simm.s32 @!p1 $0x1082;
	[sflag:s4] =	ssyncset.s32 $0xFFFFF086  }
0x25: {  	[simem:s6], [sflag:s4] =	dma.local [hbm:s3], $0xF7A  }
0x26: {  	[smem:$0x3F8E] =	sst s1;
	(tag) =	ssettag s2;
	_ =	strace s9  }
0x27: {  	s1 =	sld [smem:$0x3F9E]  }
0x28: {  	s2 =	sld [smem:$0x3F9F]  }
0x29: {  	s4 =	sld [smem:$0x3FA1]  }
0x2a: {  	p0 =	seq.s32 s5, $0x0;
	s5 =	sld [smem:$0x3FA2]  }
0x2b: {  	s6 =	sld [smem:$0x3FA3]  }
0x2c: {  	s7 =	sld [smem:$0x3FA4]  }
0x2d: {  	s3 =	simm.s32 $0x108;
	s8 =	sld [smem:$0x3FA5]  }
0x2e: {  	s3 =	simm.s32 @!p0 $0x1082;
	s9 =	sld [smem:$0x3FA6]  }
0x2f: {  	lr =	sadd.s32 s0, s3;
	s0 =	sld [smem:$0x3F9D]  }
0x30: {  	s3 =	sld [smem:$0x3FA0]  }
0x31: {  	[smem:$0x3FA9] =	sst s10  }
0x32: {  	s10 =	sld [smem:$0x3FA7];
	_ =	sdelay $0x3  }
0x33: {  	p0 =	seq.s32 s10, $0x1;
	s10 =	sld [smem:$0x3FA9];
	_ =	sdelay $0x3  }
0x34: {  	[smem:$0x3FA9] =	sst s10  }
0x35: {  	s10 =	sld [smem:$0x3FA8];
	_ =	sdelay $0x3  }
0x36: {  	p1 =	seq.s32 s10, $0x1;
	s10 =	sld [smem:$0x3FA9];
	_ =	sdelay $0x3  }
0x37: {  	[smem:$0x3FA9] =	sst s10  }
0x38: {  	s10 =	sld [smem:$0x3FAA]  }
0x39: {  	_ = 	snop;
	(pc) =	sbr.ind lr, $3  }
0x3a: {  	_ = 	snop  }
0x3b: {  	_ = 	snop  }
0x3c: {  	p2 =	seq.s32 s10, $0x1;
	s10 =	sld [smem:$0x3FA9]  }
0x3d: {  	_ =	shalt  }
0x3e: {  	_ =	shalt  }
0x3f: {  	_ =	shalt  }
0x40: {  	_ =	shalt  }
0x41: {  	_ =	shalt  }
0x42: {  	_ =	shalt  }
0x43: {  	_ =	shalt  }
0x44: {  	_ =	shalt  }
0x45: {  	_ =	shalt  }
0x46: {  	_ =	shalt  }
0x47: {  	_ =	shalt  }
0x48: {  	_ =	shalt  }
0x49: {  	_ =	shalt  }
0x4a: {  	_ =	shalt  }
0x4b: {  	_ =	shalt  }
0x4c: {  	_ =	shalt  }
0x4d: {  	_ =	shalt  }
0x4e: {  	_ =	shalt  }
0x4f: {  	_ =	shalt  }
0x50: {  	_ =	shalt  }
0x51: {  	_ =	shalt  }
0x52: {  	_ =	shalt  }
0x53: {  	_ =	shalt  }
0x54: {  	_ =	shalt  }
0x55: {  	_ =	shalt  }
0x56: {  	_ =	shalt  }
0x57: {  	_ =	shalt  }
0x58: {  	_ =	shalt  }
0x59: {  	_ =	shalt  }
0x5a: {  	_ =	shalt  }
0x5b: {  	_ =	shalt  }
0x5c: {  	_ =	shalt  }
0x5d: {  	_ =	shalt  }
0x5e: {  	_ =	shalt  }
0x5f: {  	_ =	shalt  }
0x60: {  	_ =	shalt  }
0x61: {  	_ =	shalt  }
0x62: {  	_ =	shalt  }
0x63: {  	_ =	shalt  }
0x64: {  	_ =	shalt  }
0x65: {  	_ =	shalt  }
0x66: {  	_ =	shalt  }
0x67: {  	_ =	shalt  }
0x68: {  	_ =	shalt  }
0x69: {  	_ =	shalt  }
0x6a: {  	_ =	shalt  }
0x6b: {  	_ =	shalt  }
0x6c: {  	_ =	shalt  }
0x6d: {  	_ =	shalt  }
0x6e: {  	_ =	shalt  }
0x6f: {  	_ =	shalt  }
0x70: {  	_ =	shalt  }
0x71: {  	_ =	shalt  }
0x72: {  	_ =	shalt  }
0x73: {  	_ =	shalt  }
0x74: {  	_ =	shalt  }
0x75: {  	_ =	shalt  }
0x76: {  	_ =	shalt  }
0x77: {  	_ =	shalt  }
0x78: {  	_ =	shalt  }
0x79: {  	_ =	shalt  }
0x7a: {  	_ =	shalt  }
0x7b: {  	_ =	shalt  }
0x7c: {  	_ =	shalt  }
0x7d: {  	_ =	shalt  }
0x7e: {  	_ =	shalt  }
0x7f: {  	_ =	shalt  }
0x80: {  	_ =	shalt  }
0x81: {  	_ =	shalt  }
0x82: {  	_ =	shalt  }
0x83: {  	_ =	shalt  }
0x84: {  	_ =	shalt  }
0x85: {  	_ =	shalt  }
0x86: {  	_ =	shalt  }
0x87: {  	_ =	shalt  }
.Lfunc_end0:
.L_simem_size_0:
called_computation_lowered:
.L_overlay_start_0:
0x88: {  	s2 =	sld [smem:$0x3FD9]  }
0x89: {  	s3 =	sld [smem:$0x3FFE];
	_ =	sdelay $0x1  }
0x8a: {  	s1 =	srdreg.scid  }
0x8b: {  	s0 =	sand.u32 $0x1, s1  }
0x8c: {  	s17 =	sshll.u32 s0, $0xA;
	s2 =	sadd.s32 s3, s2  }
0x8d: {  	s2 =	sadd.s32 s2, s17  }
0x8e: {  	[smem:$0x3FB5] =	sst s2  }
0x8f: {  	_ = 	snop  }
0x90: {  	s2 =	sld [smem:$0x3FD0];
	(tm) =	ssettm $0x1  }
0x91: {  	s18 =	sld [smem:$0x3FFB];
	_ =	sdelay $0x3  }
0x92: {  	_ =	strace s18  }
0x93: {  	s3 =	sld [smem:$0x3FFC];
	_ =	sdelay $0x3  }
0x94: {  	_ =	strace s3  }
0x95: {  	s3 =	sld [smem:$0x3FFD];
	_ =	sdelay $0x3  }
0x96: {  	_ =	strace s3  }
0x97: {  	_ =	strace $0x8FFFFFFF  }
0x98: {  	s19 =	sld [smem:$0x3FDB];
	_ =	sdelay $0x1  }
0x99: {  	s4 =	simm.s32 $_scs_section_size  }
0x9a: {  	s5 =	simm.s32 $_size__tile_overlayer_lowered;
	s6 =	simm.s32 $_tile_overlayer_lowered  }
0x9b: {  	s22 =	simm.s32 $0x1BFF;
	s21 =	sshll.u32 s6, $0x1;
	s3 =	sadd.s32 s4, s19  }
0x9c: {  	s7 =	simm.s32 $0x0;
	s20 =	sshll.u32 s5, $0x1;
	s5 =	sadd.s32 s21, s3  }
0x9d: {  	[timem:s7], [sflag:s22] =	dma.local [hbm:s5], s20  }
0x9e: {  	_ =	swait.ge [sflag:s22], s20  }
0x9f: {  	s4 =	ssub.s32 $0x0, s20;
	[sflag:s22] =	ssyncset.done $0x0  }
0xa0: {  	[sflag:s22] =	ssyncadd.s32 s4;
	_ =	sdelay $0x1  }
0xa1: {  	s23 =	simm.s32 $0x1B8B  }
0xa2: {  	_ =	swait.ge [sflag:s23], $0x1  }
0xa3: {  	[sflag:s23] =	ssyncset.done $0x0  }
0xa4: {  	s25 =	simm.s32 $0x1B8E;
	s24 =	sld [smem:$0x3FFE];
	[sflag:s23] =	ssyncadd.s32 $0xFFFFFFFF  }
0xa5: {  	s26 =	simm.s32 $execute0_lowered;
	[smem:$0x3FD2] =	sst s25  }
0xa6: {  	s5 =	sshll.u32 s26, $0x1;
	_ =	strace $0x80000046;
	[dreg:$0x1] =	wrdreg $0xFFFFFFFF  }
0xa7: {  	s28 =	simm.s32 $_size_execute0_lowered;
	s3 =	sadd.s32 s3, s5;
	[dreg:$0x0] =	wrdreg $0x0  }
0xa8: {  	s5 =	sshll.u32 s28, $0x1;
	[dreg:$0x2] =	wrdreg s3  }
0xa9: {  	[dreg:$0x3] =	wrdreg s5  }
0xaa: {  	[dreg:$0x4] =	wrdreg $0xC0  }
0xab: {  	_ =	task [dreg:s7], $0x5FFFF  }
0xac: {  	[dreg:$0x1] =	wrdreg $0xFFFFFFFF  }
0xad: {  	[dreg:$0x0] =	wrdreg $0x60  }
0xae: {  	[dreg:$0x2] =	wrdreg s24  }
0xaf: {  	[dreg:$0x3] =	wrdreg s2  }
0xb0: {  	[dreg:$0x4] =	wrdreg $0x9  }
0xb1: {  	_ =	task.clear_ibuf [dreg:s7], $0x5FFFF;
	_ =	strace $0x90000046  }
0xb2: {  	s29 =	simm.s32 $0x9;
	_ =	strace $0x80000048  }
0xb3: {  	_ =	swait.ge [sflag:s29], $0x1  }
0xb4: {  	[sflag:s29] =	ssyncadd.s32 $0xFFFFFFFF  }
0xb5: {  	_ =	strace $0x90000048  }
0xb6: {  	_ =	sfence  }
0xb7: {  	s30 =	sld [smem:$0x0];
	_ =	sdelay $0x2  }
0xb8: {  	s31 =	sshll.u32 s1, $0xD;
	s1 =	sshrl.u32 s1, $0x2  }
0xb9: {  	s3 =	sand.u32 $0x4000, s31;
	s1 =	sadd.s32 s1, s30  }
0xba: {  	s0 =	sor.u32 s3, s0;
	s1 =	sshll.u32 s1, $0x11  }
0xbb: {  	s0 =	sor.u32 s1, s0  }
0xbc: {  	s0 =	sadd.s32 $0x8F2B, s0  }
0xbd: {  	[sflag:s0] =	ssyncadd.remote.s32 $0x1  }
0xbe: {  	_ =	sfence.sel $0xFFFF  }
0xbf: {  	[dreg:$0x0] =	wrdreg $0xFFFFFFFF;
	(pc) =	sbr.abs _section_cstart, $3  }
0xc0: {  	[dreg:$0x1] =	wrdreg $0xFFFFFFFF  }
0xc1: {  	_ =	task.clear_ibuf [dreg:s7], $0x2FFFF;
	_ =	strace $0x9FFFFFFF  }
0xc2: {  	(tm) =	ssettm $0x7FFFFFFF  }
0xc3: {  	_ =	shalt  }
tec
execute0_lowered:
.L_overlay_start_1:
0x0: {  	(tag) =	ssettag $0x1  }
0x1: {  	s4 =	rddreg [dreg:$0x0]  }
0x2: {  	s5 =	rddreg [dreg:$0x1]  }
0x3: {  	s0 =	rddreg [dreg:$0x2]  }
0x4: {  	s3 =	srdreg.scid;
	s1 =	stileid.u32;
	s2 =	simm.s32 $0x0  }
0x5: {  	s13 =	simm.s32 $0x2800;
	s14 =	simm.s32 $0x6800;
	s15 =	simm.s32 $0x1  }
0x6: {  	s16 =	simm.s32 $0x2;
	s17 =	simm.s32 $0x0;
	s8 =	smul.u32 $0x280000, s1  }
0x7: {  	s6 =	sand.u32 $0x1, s3;
	s23 =	sshll.u32 s1, $0x1;
	s12 =	smul.u32 $0x50000, s1  }
0x8: {  	[smem:$0x7FF] =	sst s2;
	s9 =	sadd.s32 $0x2B200, s4;
	s25 =	smul.u32 $0x140000, s6  }
0x9: {  	s3 =	sor.u32 s6, s23;
	_ =	strace $0x80000047;
	s26 =	smul.u32 $0x28000, s6  }
0xa: {  	s10 =	ssub.s32 $0x2, s6;
	s7 =	smul.u32 $0x2800, s3;
	s3 =	sadd.s32 $0x3A00, s4  }
0xb: {  	s11 =	sshrl.u32 s10, $0x1;
	s28 =	sadd.s32 s12, s9;
	s12 =	simm.s32 $0x80  }
0xc: {  	s10 =	ssub.s32 s10, s11;
	s11 =	sadd.s32 s26, s28;
	s24 =	sshrl.u32 s7, $0x3  }
0xd: {  	s6 =	smax.u32 s10, $0x1;
	s7 =	sadd.s32 s25, s8;
	s8 =	sadd.s32 $0x800, s11  }
0xe: {  	s10 =	sadd.s32 $0x500800, s11;
	s11 =	simm.s32 $0x3;
	s30 =	sadd.s32 $0x2800000, s7  }
0xf: {  	s4 =	sadd.s32 s5, s24;
	s29 =	sshrl.u32 s7, $0x3;
	s31 =	sshrl.u32 s30, $0x3  }
0x10: {  	s5 =	sadd.s32 $0xA000, s4;
	s7 =	sadd.s32 s29, s9;
	s9 =	sadd.s32 s31, s9  }
.LBB2_1:
0x11: {  	[tilespmem:s2], [sflag:$0x3] =	stream.linear.gather [hbm4b:s4+s2], $0x2800, $0x38;
	[tilespmem:$0xA800] =	vst v63  }
0x12: {  	_ =	swait.ge [sflag:s11], $0x2800  }
0x13: {  	[sflag:s11] =	ssyncset.done $0x0  }
0x14: {  	[sflag:s11] =	ssyncadd.s32 $0xFFFFD800  }
0x15: {  	[tilespmem:s13], [sflag:$0x1] =	stream.indirect.gather [hbm4b:s3+s12], $0x80, s2, s12, $0xb8;
	[tilespmem:$0xA800] =	vst v63  }
0x16: {  	s18 =	simm.s32 $0x80  }
0x17: {  	[tilespmem:s14], [sflag:$0x1] =	stream.indirect.gather [hbm4b:s3+s12], $0x80, s18, s12, $0xb8;
	[tilespmem:$0xA800] =	vst v63  }
0x18: {  	_ =	swait.ge [sflag:s15], $0x4000  }
0x19: {  	[sflag:s15] =	ssyncset.done $0x0  }
0x1a: {  	s30 =	sadd.s32 $0x0, s7;
	[sflag:s15] =	ssyncadd.s32 $0xFFFFC000  }
0x1b: {  	[hbm4b:s30+s2] =	stream.linear.scatter [tilespmem:s13], [sflag:$0x2], $0x4000, $0x38;
	[tilespmem:$0xA800] =	vst v63  }
0x1c: {  	_ =	swait.ge [sflag:s15], $0x4000  }
0x1d: {  	[sflag:s15] =	ssyncset.done $0x0  }
0x1e: {  	s31 =	sadd.s32 $0x0, s8;
	[sflag:s15] =	ssyncadd.s32 $0xFFFFC000  }
0x1f: {  	[hbm4b:s31+s2] =	stream.linear.scatter [tilespmem:s14], [sflag:$0x2], $0x4000, $0x38;
	[tilespmem:$0xA800] =	vst v63  }
0x20: {  	_ =	swait.ge [sflag:s16], $0x4000  }
0x21: {  	[sflag:s16] =	ssyncset.done $0x0  }
0x22: {  	[sflag:s16] =	ssyncadd.s32 $0xFFFFC000  }
0x23: {  	_ =	swait.ge [sflag:s16], $0x4000  }
0x24: {  	s19 =	simm.s32 $0x0;
	s18 =	simm.s32 $0x1000;
	[sflag:s16] =	ssyncset.done $0x0  }
.LBB2_2:
0x25: {  	p0 =	sne.s32 s18, $0x27000;
	[sflag:s16] =	ssyncadd.s32 $0xFFFFC000;
	s19 =	sadd.s32 $0x100, s19  }
0x26: {  	[tilespmem:s13], [sflag:$0x1] =	stream.indirect.gather [hbm4b:s3+s12], $0x80, s19, s12, $0xb8;
	[tilespmem:$0xA800] =	vst v63  }
0x27: {  	s21 =	smov.u32 s18;
	s18 =	sadd.s32 $0x1000, s18;
	s20 =	sadd.s32 $0x80, s19  }
0x28: {  	[tilespmem:s14], [sflag:$0x1] =	stream.indirect.gather [hbm4b:s3+s12], $0x80, s20, s12, $0xb8;
	[tilespmem:$0xA800] =	vst v63  }
0x29: {  	_ =	swait.ge [sflag:s15], $0x4000  }
0x2a: {  	[sflag:s15] =	ssyncset.done $0x0  }
0x2b: {  	s20 =	sadd.s32 s21, s7;
	[sflag:s15] =	ssyncadd.s32 $0xFFFFC000  }
0x2c: {  	[hbm4b:s20+s2] =	stream.linear.scatter [tilespmem:s13], [sflag:$0x2], $0x4000, $0x38;
	[tilespmem:$0xA800] =	vst v63  }
0x2d: {  	_ =	swait.ge [sflag:s15], $0x4000  }
0x2e: {  	[sflag:s15] =	ssyncset.done $0x0  }
0x2f: {  	s20 =	sadd.s32 s21, s8;
	[sflag:s15] =	ssyncadd.s32 $0xFFFFC000  }
0x30: {  	[hbm4b:s20+s2] =	stream.linear.scatter [tilespmem:s14], [sflag:$0x2], $0x4000, $0x38;
	[tilespmem:$0xA800] =	vst v63  }
.Ltmp0:
0x31: {  	_ =	swait.ge [sflag:s16], $0x4000;
	(pc) =	sbr.rel @p0 .LBB2_2-.Ltmp0, $4  }
0x32: {  	[sflag:s16] =	ssyncset.done $0x0  }
0x33: {  	[sflag:s16] =	ssyncadd.s32 $0xFFFFC000  }
0x34: {  	_ =	swait.ge [sflag:s16], $0x4000  }
0x35: {  	[sflag:s16] =	ssyncset.done $0x0  }
0x36: {  	[sflag:s16] =	ssyncadd.s32 $0xFFFFC000;
	s18 =	simm.s32 $0x0  }
0x37: {  	[tilespmem:s18], [sflag:$0x3] =	stream.linear.gather [hbm4b:s5+s18], $0x2800, $0x38;
	[tilespmem:$0xA800] =	vst v63  }
0x38: {  	_ =	swait.ge [sflag:s11], $0x2800  }
0x39: {  	[sflag:s11] =	ssyncset.done $0x0  }
0x3a: {  	[sflag:s11] =	ssyncadd.s32 $0xFFFFD800  }
0x3b: {  	[tilespmem:s13], [sflag:$0x1] =	stream.indirect.gather [hbm4b:s3+s12], $0x80, s18, s12, $0xb8;
	[tilespmem:$0xA800] =	vst v63  }
0x3c: {  	s19 =	simm.s32 $0x80  }
0x3d: {  	[tilespmem:s14], [sflag:$0x1] =	stream.indirect.gather [hbm4b:s3+s12], $0x80, s19, s12, $0xb8;
	[tilespmem:$0xA800] =	vst v63  }
0x3e: {  	_ =	swait.ge [sflag:s15], $0x4000  }
0x3f: {  	[sflag:s15] =	ssyncset.done $0x0  }
0x40: {  	s30 =	sadd.s32 $0x0, s9;
	[sflag:s15] =	ssyncadd.s32 $0xFFFFC000  }
0x41: {  	[hbm4b:s30+s2] =	stream.linear.scatter [tilespmem:s13], [sflag:$0x2], $0x4000, $0x38;
	[tilespmem:$0xA800] =	vst v63  }
0x42: {  	_ =	swait.ge [sflag:s15], $0x4000  }
0x43: {  	[sflag:s15] =	ssyncset.done $0x0  }
0x44: {  	s31 =	sadd.s32 $0x0, s10;
	[sflag:s15] =	ssyncadd.s32 $0xFFFFC000  }
0x45: {  	[hbm4b:s31+s2] =	stream.linear.scatter [tilespmem:s14], [sflag:$0x2], $0x4000, $0x38;
	[tilespmem:$0xA800] =	vst v63  }
0x46: {  	_ =	swait.ge [sflag:s16], $0x4000  }
0x47: {  	[sflag:s16] =	ssyncset.done $0x0  }
0x48: {  	[sflag:s16] =	ssyncadd.s32 $0xFFFFC000  }
0x49: {  	_ =	swait.ge [sflag:s16], $0x4000  }
0x4a: {  	s19 =	simm.s32 $0x1000;
	[sflag:s16] =	ssyncset.done $0x0  }
.LBB2_4:
0x4b: {  	p0 =	sne.s32 s19, $0x27000;
	[sflag:s16] =	ssyncadd.s32 $0xFFFFC000;
	s18 =	sadd.s32 $0x100, s18  }
0x4c: {  	[tilespmem:s13], [sflag:$0x1] =	stream.indirect.gather [hbm4b:s3+s12], $0x80, s18, s12, $0xb8;
	[tilespmem:$0xA800] =	vst v63  }
0x4d: {  	s21 =	smov.u32 s19;
	s19 =	sadd.s32 $0x1000, s19;
	s20 =	sadd.s32 $0x80, s18  }
0x4e: {  	[tilespmem:s14], [sflag:$0x1] =	stream.indirect.gather [hbm4b:s3+s12], $0x80, s20, s12, $0xb8;
	[tilespmem:$0xA800] =	vst v63  }
0x4f: {  	_ =	swait.ge [sflag:s15], $0x4000  }
0x50: {  	[sflag:s15] =	ssyncset.done $0x0  }
0x51: {  	s20 =	sadd.s32 s21, s9;
	[sflag:s15] =	ssyncadd.s32 $0xFFFFC000  }
0x52: {  	[hbm4b:s20+s2] =	stream.linear.scatter [tilespmem:s13], [sflag:$0x2], $0x4000, $0x38;
	[tilespmem:$0xA800] =	vst v63  }
0x53: {  	_ =	swait.ge [sflag:s15], $0x4000  }
0x54: {  	[sflag:s15] =	ssyncset.done $0x0  }
0x55: {  	s20 =	sadd.s32 s21, s10;
	[sflag:s15] =	ssyncadd.s32 $0xFFFFC000  }
0x56: {  	[hbm4b:s20+s2] =	stream.linear.scatter [tilespmem:s14], [sflag:$0x2], $0x4000, $0x38;
	[tilespmem:$0xA800] =	vst v63  }
.Ltmp1:
0x57: {  	_ =	swait.ge [sflag:s16], $0x4000;
	(pc) =	sbr.rel @p0 .LBB2_4-.Ltmp1, $4  }
0x58: {  	[sflag:s16] =	ssyncset.done $0x0  }
0x59: {  	[sflag:s16] =	ssyncadd.s32 $0xFFFFC000  }
0x5a: {  	_ =	swait.ge [sflag:s16], $0x4000  }
0x5b: {  	[sflag:s16] =	ssyncset.done $0x0  }
0x5c: {  	s17 =	sadd.s32 $0x1, s17  }
0x5d: {  	p0 =	sne.s32 s17, s6  }
.Ltmp2:
0x5e: {  	_ = 	snop;
	(pc) =	sbr.rel @p0 .LBB2_1-.Ltmp2, $2  }
0x5f: {  	_ =	sdelay $0x2  }
0x60: {  	[sflag:s16] =	ssyncadd.s32 $0xFFFFC000  }
0x61: {  	_ =	sfence.sel $0x180000  }
0x62: {  	[bflag:$0x0] =	sbarrier.arrive $0xFFFF  }
0x63: {  	p0 =	sne.s32 s1, $0x0;
	_ =	strace $0x90000047  }
0x64: {  	s0 =	sadd.s32 @!p0 $0x100000, s0;
	[bflag:$0x2] =	sbarrier.arrive $0xFFFF  }
0x65: {  	[sflag:s0] =	ssyncadd.tile.s32 @!p0 $0x1;
	_ =	shalt  }
.Lfunc_end2:
_tile_overlayer_lowered:
.L_overlay_start_2:
0x66: {  	(tag) =	ssettag $0x2  }
0x67: {  	s0 =	rddreg [dreg:$0x0];
	s2 =	stileid.u32  }
0x68: {  	s1 =	rddreg [dreg:$0x1];
	p0 =	sne.s32 s2, $0x0  }
0x69: {  	s3 =	rddreg [dreg:$0x2];
	[bflag:$0x3] =	sbarrier.arrive $0xFFFF;
	s2 =	simm.s32 @!p0 $0x1C03  }
0x6a: {  	[timem:s3], [sflag:s2] =	dma.local @!p0 [hbm:s0], s1  }
0x6b: {  	s0 =	simm.s32 @!p0 $0x3  }
0x6c: {  	_ =	swait.ge @!p0 [sflag:s0], s1  }
0x6d: {  	s1 =	ssub.s32 @!p0 $0x0, s1;
	[sflag:s0] =	ssyncset.done @!p0 $0x0  }
0x6e: {  	[sflag:s0] =	ssyncadd.s32 @!p0 s1  }
0x6f: {  	[bflag:$0x3] =	sbarrier.arrive $0xFFFF  }
0x70: {  	_ =	shalt  }

// kernel: kernel.9.cloned.1.call-start
scs
__scs_entry_jumppad:
0x0: {  	(pc) =	sbr.rel $0x88, $3  }
0x1: {  	(tag) =	ssettag $0x0;
	lr =	simm.s32 $0x1  }
0x2: {  	[smem:$0x3F8E] =	sst lr;
	_ =	strace $0xD0000000  }
0x3: {  	_ = 	snop  }
0x4: {  	_ = 	snop  }
0x5: {  	_ = 	snop  }
0x6: {  	_ = 	snop  }
0x7: {  	_ = 	snop  }
__scs_overlays_trampoline_lowered:
0x8: {  	[smem:$0x3F9D] =	sst s0  }
0x9: {  	[smem:$0x3F9E] =	sst s1  }
0xa: {  	[smem:$0x3F9F] =	sst s2  }
0xb: {  	[smem:$0x3FA0] =	sst s3  }
0xc: {  	[smem:$0x3FA1] =	sst s4  }
0xd: {  	[smem:$0x3FA2] =	sst s5  }
0xe: {  	[smem:$0x3FA3] =	sst s6  }
0xf: {  	[smem:$0x3FA4] =	sst s7  }
0x10: {  	[smem:$0x3FA5] =	sst s8  }
0x11: {  	[smem:$0x3FA6] =	sst s9;
	s0 =	simm.s32 @!p0 $0x0  }
0x12: {  	s1 =	sld [smem:$0x3F8C];
	s0 =	simm.s32 @p0 $0x1  }
0x13: {  	[smem:$0x3FA7] =	sst s0;
	s0 =	simm.s32 @!p1 $0x0  }
0x14: {  	s2 =	sld [smem:$0x3F8B];
	s0 =	simm.s32 @p1 $0x1  }
0x15: {  	[smem:$0x3FA8] =	sst s0;
	s0 =	simm.s32 @!p2 $0x0  }
0x16: {  	s3 =	sld [smem:$0x3FDB];
	s0 =	simm.s32 @p2 $0x1  }
0x17: {  	s4 =	simm.s32 $0x1BF5;
	[smem:$0x3FAA] =	sst s0  }
0x18: {  	s0 =	sld [smem:$0x3F8D];
	_ =	swait.ge [sflag:s4], $0x0  }
0x19: {  	s7 =	sld [smem:$0x3F8E]  }
0x1a: {  	s8 =	sadd.s32 $0xFFFFE003, lr  }
0x1b: {  	s9 =	sadd.s32 $0xFFFFFEF7, lr;
	s5 =	simm.s32 $0xFFFFFFFF;
	p2 =	slt.u32 s8, $0xFFFFF086  }
0x1c: {  	p1 =	slt.u32 s9, $0xF7A;
	s5 =	simm.s32 @!p2 $0x0  }
0x1d: {  	s5 =	simm.s32 @p1 $0x1;
	p0 =	seq.s32 s7, s2  }
0x1e: {  	s7 =	smul.u32 @!p0 $0xF7A, s2;
	p2 =	seq.s32 @!p0 s5, $0x0  }
0x1f: {  	s9 =	smul.u32 $0xF7A, s1;
	s8 =	simm.s32 @!p0 $0x1BF5;
	p2 =	por !p2, p0  }
0x20: {  	[sflag:s8] =	ssyncset.s32 @!p0 $0xFFFFF086;
	s6 =	sadd.s32 @!p0 s3, s7;
	s7 =	simm.s32 @!p0 $0x108  }
0x21: {  	s3 =	sadd.s32 s3, s9;
	s6 =	sadd.s32 @!p0 $0x88, s6;
	s7 =	simm.s32 @p2 $0x1082  }
0x22: {  	[simem:s7], [sflag:s8] =	dma.local @!p0 [hbm:s6], $0xF7A  }
0x23: {  	s9 =	sor.u32 $0xD0000000, s2;
	s6 =	simm.s32 $0x108;
	_ =	swait.ge @!p0 [sflag:s8], $0x0  }
0x24: {  	s3 =	sadd.s32 $0x88, s3;
	s6 =	simm.s32 @!p1 $0x1082;
	[sflag:s4] =	ssyncset.s32 $0xFFFFF086  }
0x25: {  	[simem:s6], [sflag:s4] =	dma.local [hbm:s3], $0xF7A  }
0x26: {  	[smem:$0x3F8E] =	sst s1;
	(tag) =	ssettag s2;
	_ =	strace s9  }
0x27: {  	s1 =	sld [smem:$0x3F9E]  }
0x28: {  	s2 =	sld [smem:$0x3F9F]  }
0x29: {  	s4 =	sld [smem:$0x3FA1]  }
0x2a: {  	p0 =	seq.s32 s5, $0x0;
	s5 =	sld [smem:$0x3FA2]  }
0x2b: {  	s6 =	sld [smem:$0x3FA3]  }
0x2c: {  	s7 =	sld [smem:$0x3FA4]  }
0x2d: {  	s3 =	simm.s32 $0x108;
	s8 =	sld [smem:$0x3FA5]  }
0x2e: {  	s3 =	simm.s32 @!p0 $0x1082;
	s9 =	sld [smem:$0x3FA6]  }
0x2f: {  	lr =	sadd.s32 s0, s3;
	s0 =	sld [smem:$0x3F9D]  }
0x30: {  	s3 =	sld [smem:$0x3FA0]  }
0x31: {  	[smem:$0x3FA9] =	sst s10  }
0x32: {  	s10 =	sld [smem:$0x3FA7];
	_ =	sdelay $0x3  }
0x33: {  	p0 =	seq.s32 s10, $0x1;
	s10 =	sld [smem:$0x3FA9];
	_ =	sdelay $0x3  }
0x34: {  	[smem:$0x3FA9] =	sst s10  }
0x35: {  	s10 =	sld [smem:$0x3FA8];
	_ =	sdelay $0x3  }
0x36: {  	p1 =	seq.s32 s10, $0x1;
	s10 =	sld [smem:$0x3FA9];
	_ =	sdelay $0x3  }
0x37: {  	[smem:$0x3FA9] =	sst s10  }
0x38: {  	s10 =	sld [smem:$0x3FAA]  }
0x39: {  	_ = 	snop;
	(pc) =	sbr.ind lr, $3  }
0x3a: {  	_ = 	snop  }
0x3b: {  	_ = 	snop  }
0x3c: {  	p2 =	seq.s32 s10, $0x1;
	s10 =	sld [smem:$0x3FA9]  }
0x3d: {  	_ =	shalt  }
0x3e: {  	_ =	shalt  }
0x3f: {  	_ =	shalt  }
0x40: {  	_ =	shalt  }
0x41: {  	_ =	shalt  }
0x42: {  	_ =	shalt  }
0x43: {  	_ =	shalt  }
0x44: {  	_ =	shalt  }
0x45: {  	_ =	shalt  }
0x46: {  	_ =	shalt  }
0x47: {  	_ =	shalt  }
0x48: {  	_ =	shalt  }
0x49: {  	_ =	shalt  }
0x4a: {  	_ =	shalt  }
0x4b: {  	_ =	shalt  }
0x4c: {  	_ =	shalt  }
0x4d: {  	_ =	shalt  }
0x4e: {  	_ =	shalt  }
0x4f: {  	_ =	shalt  }
0x50: {  	_ =	shalt  }
0x51: {  	_ =	shalt  }
0x52: {  	_ =	shalt  }
0x53: {  	_ =	shalt  }
0x54: {  	_ =	shalt  }
0x55: {  	_ =	shalt  }
0x56: {  	_ =	shalt  }
0x57: {  	_ =	shalt  }
0x58: {  	_ =	shalt  }
0x59: {  	_ =	shalt  }
0x5a: {  	_ =	shalt  }
0x5b: {  	_ =	shalt  }
0x5c: {  	_ =	shalt  }
0x5d: {  	_ =	shalt  }
0x5e: {  	_ =	shalt  }
0x5f: {  	_ =	shalt  }
0x60: {  	_ =	shalt  }
0x61: {  	_ =	shalt  }
0x62: {  	_ =	shalt  }
0x63: {  	_ =	shalt  }
0x64: {  	_ =	shalt  }
0x65: {  	_ =	shalt  }
0x66: {  	_ =	shalt  }
0x67: {  	_ =	shalt  }
0x68: {  	_ =	shalt  }
0x69: {  	_ =	shalt  }
0x6a: {  	_ =	shalt  }
0x6b: {  	_ =	shalt  }
0x6c: {  	_ =	shalt  }
0x6d: {  	_ =	shalt  }
0x6e: {  	_ =	shalt  }
0x6f: {  	_ =	shalt  }
0x70: {  	_ =	shalt  }
0x71: {  	_ =	shalt  }
0x72: {  	_ =	shalt  }
0x73: {  	_ =	shalt  }
0x74: {  	_ =	shalt  }
0x75: {  	_ =	shalt  }
0x76: {  	_ =	shalt  }
0x77: {  	_ =	shalt  }
0x78: {  	_ =	shalt  }
0x79: {  	_ =	shalt  }
0x7a: {  	_ =	shalt  }
0x7b: {  	_ =	shalt  }
0x7c: {  	_ =	shalt  }
0x7d: {  	_ =	shalt  }
0x7e: {  	_ =	shalt  }
0x7f: {  	_ =	shalt  }
0x80: {  	_ =	shalt  }
0x81: {  	_ =	shalt  }
0x82: {  	_ =	shalt  }
0x83: {  	_ =	shalt  }
0x84: {  	_ =	shalt  }
0x85: {  	_ =	shalt  }
0x86: {  	_ =	shalt  }
0x87: {  	_ =	shalt  }
.Lfunc_end0:
.L_simem_size_0:
called_computation.1_lowered:
.L_overlay_start_0:
0x88: {  	s2 =	sld [smem:$0x3FD9]  }
0x89: {  	s3 =	sld [smem:$0x3FFE];
	_ =	sdelay $0x1  }
0x8a: {  	s1 =	srdreg.scid  }
0x8b: {  	s0 =	sand.u32 $0x1, s1  }
0x8c: {  	s17 =	sshll.u32 s0, $0xA;
	s2 =	sadd.s32 s3, s2  }
0x8d: {  	s2 =	sadd.s32 s2, s17  }
0x8e: {  	[smem:$0x3FB5] =	sst s2  }
0x8f: {  	_ = 	snop  }
0x90: {  	s2 =	sld [smem:$0x3FD0];
	(tm) =	ssettm $0x1  }
0x91: {  	s18 =	sld [smem:$0x3FFB];
	_ =	sdelay $0x3  }
0x92: {  	_ =	strace s18  }
0x93: {  	s3 =	sld [smem:$0x3FFC];
	_ =	sdelay $0x3  }
0x94: {  	_ =	strace s3  }
0x95: {  	s3 =	sld [smem:$0x3FFD];
	_ =	sdelay $0x3  }
0x96: {  	_ =	strace s3  }
0x97: {  	_ =	strace $0x8FFFFFFF  }
0x98: {  	s19 =	sld [smem:$0x3FDB];
	_ =	sdelay $0x1  }
0x99: {  	s4 =	simm.s32 $_scs_section_size  }
0x9a: {  	s5 =	simm.s32 $_size__tile_overlayer_lowered;
	s6 =	simm.s32 $_tile_overlayer_lowered  }
0x9b: {  	s22 =	simm.s32 $0x1BFF;
	s21 =	sshll.u32 s6, $0x1;
	s3 =	sadd.s32 s4, s19  }
0x9c: {  	s7 =	simm.s32 $0x0;
	s20 =	sshll.u32 s5, $0x1;
	s5 =	sadd.s32 s21, s3  }
0x9d: {  	[timem:s7], [sflag:s22] =	dma.local [hbm:s5], s20  }
0x9e: {  	_ =	swait.ge [sflag:s22], s20  }
0x9f: {  	s4 =	ssub.s32 $0x0, s20;
	[sflag:s22] =	ssyncset.done $0x0  }
0xa0: {  	[sflag:s22] =	ssyncadd.s32 s4;
	_ =	sdelay $0x1  }
0xa1: {  	s23 =	simm.s32 $0x1B8B  }
0xa2: {  	_ =	swait.ge [sflag:s23], $0x1  }
0xa3: {  	[sflag:s23] =	ssyncset.done $0x0  }
0xa4: {  	s25 =	simm.s32 $0x1B8E;
	s24 =	sld [smem:$0x3FFE];
	[sflag:s23] =	ssyncadd.s32 $0xFFFFFFFF  }
0xa5: {  	s26 =	simm.s32 $execute0_lowered;
	[smem:$0x3FD2] =	sst s25  }
0xa6: {  	s5 =	sshll.u32 s26, $0x1;
	_ =	strace $0x80000049;
	[dreg:$0x1] =	wrdreg $0xFFFFFFFF  }
0xa7: {  	s28 =	simm.s32 $_size_execute0_lowered;
	s3 =	sadd.s32 s3, s5;
	[dreg:$0x0] =	wrdreg $0x0  }
0xa8: {  	s5 =	sshll.u32 s28, $0x1;
	[dreg:$0x2] =	wrdreg s3  }
0xa9: {  	[dreg:$0x3] =	wrdreg s5  }
0xaa: {  	[dreg:$0x4] =	wrdreg $0xC0  }
0xab: {  	_ =	task [dreg:s7], $0x5FFFF  }
0xac: {  	[dreg:$0x1] =	wrdreg $0xFFFFFFFF  }
0xad: {  	[dreg:$0x0] =	wrdreg $0x60  }
0xae: {  	[dreg:$0x2] =	wrdreg s24  }
0xaf: {  	[dreg:$0x3] =	wrdreg s2  }
0xb0: {  	[dreg:$0x4] =	wrdreg $0xA8000  }
0xb1: {  	[dreg:$0x5] =	wrdreg $0x9  }
0xb2: {  	_ =	task.clear_ibuf [dreg:s7], $0x6FFFF;
	_ =	strace $0x90000049  }
0xb3: {  	s29 =	simm.s32 $0x9;
	_ =	strace $0x8000004B  }
0xb4: {  	_ =	swait.ge [sflag:s29], $0x1  }
0xb5: {  	[sflag:s29] =	ssyncadd.s32 $0xFFFFFFFF  }
0xb6: {  	_ =	strace $0x9000004B  }
0xb7: {  	_ =	sfence  }
0xb8: {  	s30 =	sld [smem:$0x0];
	_ =	sdelay $0x2  }
0xb9: {  	s31 =	sshll.u32 s1, $0xD;
	s1 =	sshrl.u32 s1, $0x2  }
0xba: {  	s3 =	sand.u32 $0x4000, s31;
	s1 =	sadd.s32 s1, s30  }
0xbb: {  	s0 =	sor.u32 s3, s0;
	s1 =	sshll.u32 s1, $0x11  }
0xbc: {  	s0 =	sor.u32 s1, s0  }
0xbd: {  	s0 =	sadd.s32 $0x8F2B, s0  }
0xbe: {  	[sflag:s0] =	ssyncadd.remote.s32 $0x1  }
0xbf: {  	_ =	sfence.sel $0xFFFF  }
0xc0: {  	[dreg:$0x0] =	wrdreg $0xFFFFFFFF;
	(pc) =	sbr.abs _section_cstart, $3  }
0xc1: {  	[dreg:$0x1] =	wrdreg $0xFFFFFFFF  }
0xc2: {  	_ =	task.clear_ibuf [dreg:s7], $0x2FFFF;
	_ =	strace $0x9FFFFFFF  }
0xc3: {  	(tm) =	ssettm $0x7FFFFFFF  }
tec
execute0_lowered:
.L_overlay_start_1:
0x0: {  	(tag) =	ssettag $0x1  }
0x1: {  	s4 =	rddreg [dreg:$0x0]  }
0x2: {  	s6 =	rddreg [dreg:$0x1];
	s0 =	stileid.u32  }
0x3: {  	s1 =	srdreg.scid;
	s5 =	smul.u32 $0x13C00, s0  }
0x4: {  	s2 =	rddreg [dreg:$0x2];
	s3 =	simm.s32 $0x0;
	s11 =	smul.u32 $0x4F000, s0  }
0x5: {  	s9 =	sand.u32 $0x1, s1;
	s1 =	rddreg [dreg:$0x3];
	s23 =	smul.u32 $0x280000, s0  }
0x6: {  	[smem:$0x7FF] =	sst s3;
	s12 =	sadd.s32 $0xA2B200, s4;
	s16 =	smul.u32 $0x50000, s0  }
0x7: {  	s10 =	sshll.u32 s0, $0x1;
	s24 =	sshll.u32 s0, $0x6;
	s7 =	smul.u32 $0x13C000, s9  }
0x8: {  	_ =	strace $0x8000004A;
	s18 =	ssub.s32 $0x2, s9;
	s15 =	smul.u32 $0x140000, s9  }
0x9: {  	s20 =	sor.u32 s9, s10;
	s26 =	smul.u32 $0x28000, s9;
	s8 =	sshrl.u32 s5, $0x3  }
0xa: {  	s19 =	sshrl.u32 s18, $0x1;
	s22 =	sshrl.u32 s11, $0x2;
	s29 =	sadd.s32 s16, s12  }
0xb: {  	s16 =	simm.s32 $0x2800;
	s5 =	sadd.s32 s5, s7;
	s17 =	sadd.s32 s8, s4  }
0xc: {  	s21 =	ssub.s32 s18, s19;
	s14 =	sadd.s32 s22, s2;
	s28 =	sadd.s32 s15, s23  }
0xd: {  	s18 =	simm.s32 $0x1;
	s19 =	simm.s32 $0x80;
	s5 =	sshrl.u32 s5, $0x3  }
0xe: {  	s9 =	smax.u32 s21, $0x1;
	s15 =	sshrl.u32 s28, $0x3;
	s30 =	sadd.s32 $0x2800000, s28  }
0xf: {  	s14 =	sshrl.u32 s14, $0x3;
	s13 =	sadd.s32 s5, s4;
	s5 =	smul.u32 $0x2800, s20  }
0x10: {  	s4 =	sadd.s32 $0x3A00, s17;
	s10 =	sadd.s32 s15, s12;
	s31 =	sshrl.u32 s30, $0x3  }
0x11: {  	s15 =	simm.s32 $0x2;
	s17 =	simm.s32 $0x6800;
	s20 =	simm.s32 $0x0  }
0x12: {  	s8 =	sadd.s32 $0x2B200, s13;
	s13 =	sadd.s32 s26, s29;
	s25 =	sshrl.u32 s5, $0x3  }
0x13: {  	s12 =	sadd.s32 s31, s12;
	s5 =	sor.u32 $0x1C02, s24;
	s6 =	sadd.s32 s6, s25  }
0x14: {  	s11 =	sadd.s32 $0x800, s13;
	s13 =	sadd.s32 $0x500800, s13;
	s7 =	sadd.s32 $0xA000, s6  }
.LBB2_1:
0x15: {  	[spmem:s14], [sflag:s5] =	dma.local [hbm:s4], $0x2780  }
0x16: {  	_ =	swait.ge [sflag:s15], $0x2780  }
0x17: {  	[sflag:s15] =	ssyncset.done $0x0  }
0x18: {  	[sflag:s15] =	ssyncadd.s32 $0xFFFFD880  }
0x19: {  	[bflag:$0x0] =	sbarrier.arrive $0xFFFF  }
0x1a: {  	[tilespmem:s3], [sflag:$0x2] =	stream.linear.gather [hbm4b:s6+s3], $0x2800, $0x38;
	[tilespmem:$0x1E400] =	vst v63  }
0x1b: {  	_ =	swait.ge [sflag:s15], $0x2800  }
0x1c: {  	[sflag:s15] =	ssyncset.done $0x0  }
0x1d: {  	s21 =	sadd.s32 $0x0, s10;
	[sflag:s15] =	ssyncadd.s32 $0xFFFFD800  }
0x1e: {  	[tilespmem:s16], [sflag:$0x1] =	stream.linear.gather [hbm4b:s21+s3], $0x4000, $0x38;
	[tilespmem:$0x1E400] =	vst v63  }
0x1f: {  	s30 =	sadd.s32 $0x0, s11  }
0x20: {  	[tilespmem:s17], [sflag:$0x1] =	stream.linear.gather [hbm4b:s30+s3], $0x4000, $0x38;
	[tilespmem:$0x1E400] =	vst v63  }
0x21: {  	_ =	swait.ge [sflag:s18], $0x4000  }
0x22: {  	[sflag:s18] =	ssyncset.done $0x0  }
0x23: {  	[sflag:s18] =	ssyncadd.s32 $0xFFFFC000  }
0x24: {  	[spmem:s2] =	stream.indirect.scatter.add.f32 [tilespmem:s16], [sflag:$0x2], $0x80, s3, s19, $0xb8;
	[tilespmem:$0x1E400] =	vst v63  }
0x25: {  	_ =	swait.ge [sflag:s15], $0x4000  }
0x26: {  	[sflag:s15] =	ssyncset.done $0x0  }
0x27: {  	[sflag:s15] =	ssyncadd.s32 $0xFFFFC000  }
0x28: {  	_ =	swait.ge [sflag:s18], $0x4000  }
0x29: {  	[sflag:s18] =	ssyncset.done $0x0  }
0x2a: {  	s31 =	simm.s32 $0x80;
	[sflag:s18] =	ssyncadd.s32 $0xFFFFC000  }
0x2b: {  	[spmem:s2] =	stream.indirect.scatter.add.f32 [tilespmem:s17], [sflag:$0x2], $0x80, s31, s19, $0xb8;
	[tilespmem:$0x1E400] =	vst v63  }
0x2c: {  	s22 =	simm.s32 $0x1000;
	_ =	swait.ge [sflag:s15], $0x4000  }
0x2d: {  	s23 =	simm.s32 $0x2000;
	s21 =	simm.s32 $0x100;
	[sflag:s15] =	ssyncset.done $0x0  }
.LBB2_2:
0x2e: {  	s24 =	sadd.s32 s22, s10  }
0x2f: {  	[sflag:s15] =	ssyncadd.s32 $0xFFFFC000;
	s25 =	smov.u32 s23;
	s26 =	sadd.s32 $0x1000, s23  }
0x30: {  	[tilespmem:s16], [sflag:$0x1] =	stream.linear.gather [hbm4b:s24+s3], $0x4000, $0x38;
	[tilespmem:$0x1E400] =	vst v63  }
0x31: {  	p0 =	sne.s32 s23, $0x27000;
	s23 =	sadd.s32 s22, s11;
	s22 =	smov.u32 s25  }
0x32: {  	[tilespmem:s17], [sflag:$0x1] =	stream.linear.gather [hbm4b:s23+s3], $0x4000, $0x38;
	[tilespmem:$0x1E400] =	vst v63  }
0x33: {  	_ =	swait.ge [sflag:s18], $0x4000  }
0x34: {  	[sflag:s18] =	ssyncset.done $0x0  }
0x35: {  	[sflag:s18] =	ssyncadd.s32 $0xFFFFC000  }
0x36: {  	[spmem:s2] =	stream.indirect.scatter.add.f32 [tilespmem:s16], [sflag:$0x2], $0x80, s21, s19, $0xb8;
	[tilespmem:$0x1E400] =	vst v63  }
0x37: {  	_ =	swait.ge [sflag:s15], $0x4000  }
0x38: {  	[sflag:s15] =	ssyncset.done $0x0  }
0x39: {  	[sflag:s15] =	ssyncadd.s32 $0xFFFFC000  }
0x3a: {  	_ =	swait.ge [sflag:s18], $0x4000  }
.Ltmp0:
0x3b: {  	[sflag:s18] =	ssyncset.done $0x0;
	(pc) =	sbr.rel @p0 .LBB2_2-.Ltmp0, $4  }
0x3c: {  	s23 =	sadd.s32 $0x80, s21;
	[sflag:s18] =	ssyncadd.s32 $0xFFFFC000  }
0x3d: {  	[spmem:s2] =	stream.indirect.scatter.add.f32 [tilespmem:s17], [sflag:$0x2], $0x80, s23, s19, $0xb8;
	[tilespmem:$0x1E400] =	vst v63  }
0x3e: {  	_ =	swait.ge [sflag:s15], $0x4000  }
0x3f: {  	s21 =	sadd.s32 $0x100, s21;
	s23 =	smov.u32 s26;
	[sflag:s15] =	ssyncset.done $0x0  }
0x40: {  	s23 =	sadd.s32 s22, s10;
	[sflag:s15] =	ssyncadd.s32 $0xFFFFC000  }
0x41: {  	[tilespmem:s16], [sflag:$0x1] =	stream.linear.gather [hbm4b:s23+s3], $0x4000, $0x38;
	[tilespmem:$0x1E400] =	vst v63  }
0x42: {  	s25 =	sadd.s32 s22, s11  }
0x43: {  	[tilespmem:s17], [sflag:$0x1] =	stream.linear.gather [hbm4b:s25+s3], $0x4000, $0x38;
	[tilespmem:$0x1E400] =	vst v63  }
0x44: {  	_ =	swait.ge [sflag:s18], $0x4000  }
0x45: {  	[sflag:s18] =	ssyncset.done $0x0  }
0x46: {  	[sflag:s18] =	ssyncadd.s32 $0xFFFFC000  }
0x47: {  	[spmem:s2] =	stream.indirect.scatter.add.f32 [tilespmem:s16], [sflag:$0x2], $0x80, s21, s19, $0xb8;
	[tilespmem:$0x1E400] =	vst v63  }
0x48: {  	_ =	swait.ge [sflag:s15], $0x4000  }
0x49: {  	[sflag:s15] =	ssyncset.done $0x0  }
0x4a: {  	[sflag:s15] =	ssyncadd.s32 $0xFFFFC000  }
0x4b: {  	_ =	swait.ge [sflag:s18], $0x4000  }
0x4c: {  	[sflag:s18] =	ssyncset.done $0x0  }
0x4d: {  	s26 =	sadd.s32 $0x80, s21;
	[sflag:s18] =	ssyncadd.s32 $0xFFFFC000  }
0x4e: {  	[spmem:s2] =	stream.indirect.scatter.add.f32 [tilespmem:s17], [sflag:$0x2], $0x80, s26, s19, $0xb8;
	[tilespmem:$0x1E400] =	vst v63  }
0x4f: {  	_ =	swait.ge [sflag:s15], $0x4000  }
0x50: {  	[sflag:s15] =	ssyncset.done $0x0  }
0x51: {  	s28 =	simm.s32 $0x0;
	[sflag:s15] =	ssyncadd.s32 $0xFFFFC000  }
0x52: {  	[tilespmem:s28], [sflag:$0x2] =	stream.linear.gather [hbm4b:s7+s28], $0x2800, $0x38;
	[tilespmem:$0x1E400] =	vst v63  }
0x53: {  	_ =	swait.ge [sflag:s15], $0x2800  }
0x54: {  	[sflag:s15] =	ssyncset.done $0x0  }
0x55: {  	s29 =	sadd.s32 $0x0, s12;
	[sflag:s15] =	ssyncadd.s32 $0xFFFFD800  }
0x56: {  	[tilespmem:s16], [sflag:$0x1] =	stream.linear.gather [hbm4b:s29+s3], $0x4000, $0x38;
	[tilespmem:$0x1E400] =	vst v63  }
0x57: {  	s30 =	sadd.s32 $0x0, s13  }
0x58: {  	[tilespmem:s17], [sflag:$0x1] =	stream.linear.gather [hbm4b:s30+s3], $0x4000, $0x38;
	[tilespmem:$0x1E400] =	vst v63  }
0x59: {  	_ =	swait.ge [sflag:s18], $0x4000  }
0x5a: {  	[sflag:s18] =	ssyncset.done $0x0  }
0x5b: {  	[sflag:s18] =	ssyncadd.s32 $0xFFFFC000  }
0x5c: {  	[spmem:s2] =	stream.indirect.scatter.add.f32 [tilespmem:s16], [sflag:$0x2], $0x80, s28, s19, $0xb8;
	[tilespmem:$0x1E400] =	vst v63  }
0x5d: {  	_ =	swait.ge [sflag:s15], $0x4000  }
0x5e: {  	[sflag:s15] =	ssyncset.done $0x0  }
0x5f: {  	[sflag:s15] =	ssyncadd.s32 $0xFFFFC000  }
0x60: {  	_ =	swait.ge [sflag:s18], $0x4000  }
0x61: {  	[sflag:s18] =	ssyncset.done $0x0  }
0x62: {  	s31 =	simm.s32 $0x80;
	[sflag:s18] =	ssyncadd.s32 $0xFFFFC000  }
0x63: {  	[spmem:s2] =	stream.indirect.scatter.add.f32 [tilespmem:s17], [sflag:$0x2], $0x80, s31, s19, $0xb8;
	[tilespmem:$0x1E400] =	vst v63  }
0x64: {  	s22 =	simm.s32 $0x1000;
	_ =	swait.ge [sflag:s15], $0x4000  }
0x65: {  	s23 =	simm.s32 $0x2000;
	s21 =	simm.s32 $0x100;
	[sflag:s15] =	ssyncset.done $0x0  }
.LBB2_4:
0x66: {  	s24 =	sadd.s32 s22, s12  }
0x67: {  	[sflag:s15] =	ssyncadd.s32 $0xFFFFC000;
	s25 =	smov.u32 s23;
	s26 =	sadd.s32 $0x1000, s23  }
0x68: {  	[tilespmem:s16], [sflag:$0x1] =	stream.linear.gather [hbm4b:s24+s3], $0x4000, $0x38;
	[tilespmem:$0x1E400] =	vst v63  }
0x69: {  	p0 =	sne.s32 s23, $0x27000;
	s23 =	sadd.s32 s22, s13;
	s22 =	smov.u32 s25  }
0x6a: {  	[tilespmem:s17], [sflag:$0x1] =	stream.linear.gather [hbm4b:s23+s3], $0x4000, $0x38;
	[tilespmem:$0x1E400] =	vst v63  }
0x6b: {  	_ =	swait.ge [sflag:s18], $0x4000  }
0x6c: {  	[sflag:s18] =	ssyncset.done $0x0  }
0x6d: {  	[sflag:s18] =	ssyncadd.s32 $0xFFFFC000  }
0x6e: {  	[spmem:s2] =	stream.indirect.scatter.add.f32 [tilespmem:s16], [sflag:$0x2], $0x80, s21, s19, $0xb8;
	[tilespmem:$0x1E400] =	vst v63  }
0x6f: {  	_ =	swait.ge [sflag:s15], $0x4000  }
0x70: {  	[sflag:s15] =	ssyncset.done $0x0  }
0x71: {  	[sflag:s15] =	ssyncadd.s32 $0xFFFFC000  }
0x72: {  	_ =	swait.ge [sflag:s18], $0x4000  }
.Ltmp1:
0x73: {  	[sflag:s18] =	ssyncset.done $0x0;
	(pc) =	sbr.rel @p0 .LBB2_4-.Ltmp1, $4  }
0x74: {  	s23 =	sadd.s32 $0x80, s21;
	[sflag:s18] =	ssyncadd.s32 $0xFFFFC000  }
0x75: {  	[spmem:s2] =	stream.indirect.scatter.add.f32 [tilespmem:s17], [sflag:$0x2], $0x80, s23, s19, $0xb8;
	[tilespmem:$0x1E400] =	vst v63  }
0x76: {  	_ =	swait.ge [sflag:s15], $0x4000  }
0x77: {  	s21 =	sadd.s32 $0x100, s21;
	s23 =	smov.u32 s26;
	[sflag:s15] =	ssyncset.done $0x0  }
0x78: {  	s23 =	sadd.s32 s22, s12;
	[sflag:s15] =	ssyncadd.s32 $0xFFFFC000  }
0x79: {  	[tilespmem:s16], [sflag:$0x1] =	stream.linear.gather [hbm4b:s23+s3], $0x4000, $0x38;
	[tilespmem:$0x1E400] =	vst v63  }
0x7a: {  	s30 =	sadd.s32 s22, s13  }
0x7b: {  	[tilespmem:s17], [sflag:$0x1] =	stream.linear.gather [hbm4b:s30+s3], $0x4000, $0x38;
	[tilespmem:$0x1E400] =	vst v63  }
0x7c: {  	_ =	swait.ge [sflag:s18], $0x4000  }
0x7d: {  	[sflag:s18] =	ssyncset.done $0x0  }
0x7e: {  	[sflag:s18] =	ssyncadd.s32 $0xFFFFC000  }
0x7f: {  	[spmem:s2] =	stream.indirect.scatter.add.f32 [tilespmem:s16], [sflag:$0x2], $0x80, s21, s19, $0xb8;
	[tilespmem:$0x1E400] =	vst v63  }
0x80: {  	_ =	swait.ge [sflag:s15], $0x4000  }
0x81: {  	[sflag:s15] =	ssyncset.done $0x0  }
0x82: {  	[sflag:s15] =	ssyncadd.s32 $0xFFFFC000  }
0x83: {  	_ =	swait.ge [sflag:s18], $0x4000  }
0x84: {  	[sflag:s18] =	ssyncset.done $0x0  }
0x85: {  	s31 =	sadd.s32 $0x80, s21;
	[sflag:s18] =	ssyncadd.s32 $0xFFFFC000  }
0x86: {  	[spmem:s2] =	stream.indirect.scatter.add.f32 [tilespmem:s17], [sflag:$0x2], $0x80, s31, s19, $0xb8;
	[tilespmem:$0x1E400] =	vst v63  }
0x87: {  	_ =	swait.ge [sflag:s15], $0x4000  }
0x88: {  	s20 =	sadd.s32 $0x1, s20;
	[sflag:s15] =	ssyncset.done $0x0  }
0x89: {  	p0 =	sne.s32 s20, s9;
	[sflag:s15] =	ssyncadd.s32 $0xFFFFC000  }
.Ltmp2:
0x8a: {  	[bflag:$0x0] =	sbarrier.arrive $0xFFFF;
	(pc) =	sbr.rel @p0 .LBB2_1-.Ltmp2, $4  }
0x8b: {  	[hbm:s8], [sflag:s5] =	dma.local [spmem:s14], $0x2780  }
0x8c: {  	_ =	swait.ge [sflag:s15], $0x2780  }
0x8d: {  	[sflag:s15] =	ssyncset.done $0x0  }
0x8e: {  	[sflag:s15] =	ssyncadd.s32 $0xFFFFD880  }
0x8f: {  	_ =	sfence.sel $0x180000  }
0x90: {  	[bflag:$0x0] =	sbarrier.arrive $0xFFFF  }
0x91: {  	p0 =	sne.s32 s0, $0x0;
	_ =	strace $0x9000004A  }
0x92: {  	s0 =	sadd.s32 @!p0 $0x100000, s1;
	[bflag:$0x2] =	sbarrier.arrive $0xFFFF  }
0x93: {  	[sflag:s0] =	ssyncadd.tile.s32 @!p0 $0x1;
	_ =	shalt  }
.Lfunc_end2:
_tile_overlayer_lowered:
.L_overlay_start_2:
0x94: {  	(tag) =	ssettag $0x2  }
0x95: {  	s0 =	rddreg [dreg:$0x0];
	s2 =	stileid.u32  }
0x96: {  	s1 =	rddreg [dreg:$0x1];
	p0 =	sne.s32 s2, $0x0  }
0x97: {  	s3 =	rddreg [dreg:$0x2];
	[bflag:$0x3] =	sbarrier.arrive $0xFFFF;
	s2 =	simm.s32 @!p0 $0x1C02  }
0x98: {  	[timem:s3], [sflag:s2] =	dma.local @!p0 [hbm:s0], s1  }
0x99: {  	s0 =	simm.s32 @!p0 $0x2  }
0x9a: {  	_ =	swait.ge @!p0 [sflag:s0], s1  }
0x9b: {  	s1 =	ssub.s32 @!p0 $0x0, s1;
	[sflag:s0] =	ssyncset.done @!p0 $0x0  }
0x9c: {  	[sflag:s0] =	ssyncadd.s32 @!p0 s1  }
0x9d: {  	[bflag:$0x3] =	sbarrier.arrive $0xFFFF  }
0x9e: {  	_ =	shalt  }

</sc_bundles>
